<compile_context>
chip_gen: v7x
topology: tpu7x:2x2x1
jax: 0.10.2.dev20260603
libtpu: 0.0.44.dev20260713+nightly
codegen_flags: <defaults>
</compile_context>

<pallas_src>
import functools

import jax
import jax.numpy as jnp
from jax import lax
from jax.experimental import pallas as pl
from jax.experimental.pallas import tpu as pltpu
from jax.experimental.pallas import tpu_sc as plsc

_N_FIELDS = 26
_VOCAB = 100000
_DIM = 64
_BATCH = 16384

_NC = 2
_NS = 16
_NW = _NC * _NS

_B_TOTAL = _N_FIELDS * _BATCH
_R = _B_TOTAL // _NW
_C = 128
_NCHUNK = _R // _C
_T_ROWS = _N_FIELDS * _VOCAB

_mesh = plsc.VectorSubcoreMesh(core_axis_name="c", subcore_axis_name="s")


@functools.partial(
    pl.kernel,
    mesh=_mesh,
    compiler_params=pltpu.CompilerParams(
        use_tc_tiling_on_sc=True, needs_layout_passes=False
    ),
    out_type=jax.ShapeDtypeStruct((_B_TOTAL, 2 * _DIM), jnp.float32),
    scratch_types=[
        pltpu.VMEM((_NCHUNK, _C), jnp.int32),
        pltpu.VMEM((6 * _C, 2 * _DIM), jnp.float32),
        pltpu.SemaphoreType.DMA,
        pltpu.SemaphoreType.DMA,
    ],
)
def _sc_gather(x_hbm, tp_hbm, out_hbm, idx_v, gbuf, gsem, osem):
    wid = lax.axis_index("s") * _NC + lax.axis_index("c")
    base_row = wid * _R

    pltpu.sync_copy(x_hbm.at[wid], idx_v)

    def _preprocess(c, carry):
        off = ((base_row + c * _C) // _BATCH) * _VOCAB
        for s in range(_C // 16):
            sl = pl.ds(s * 16, 16)
            idx_v[c, sl] = idx_v[c, sl] + off
        return carry

    lax.fori_loop(0, _NCHUNK, _preprocess, 0)

    def _fire_gather(c, b):
        pltpu.async_copy(tp_hbm.at[idx_v.at[c]], gbuf.at[pl.ds(b * _C, _C)], gsem)

    def _drain_gather(b):
        pltpu.make_async_copy(
            tp_hbm.at[pl.ds(0, _C)], gbuf.at[pl.ds(b * _C, _C)], gsem
        ).wait()

    def _fire_writeback(c, b):
        pltpu.async_copy(
            gbuf.at[pl.ds(b * _C, _C)],
            out_hbm.at[pl.ds(base_row + c * _C, _C)],
            osem,
        )

    def _drain_writeback(b):
        pltpu.make_async_copy(
            tp_hbm.at[pl.ds(0, _C)],
            gbuf.at[pl.ds(b * _C, _C)],
            osem,
        ).wait()

    for c in range(4):
        _fire_gather(c, c)

    for w in (0, 1):
        _fire_gather(w + 4, (w + 4) % 6)
        _drain_gather(w % 6)
        _fire_writeback(w, w % 6)

    def _chunk(w, carry):
        _drain_writeback((w - 2) % 6)
        _fire_gather(w + 4, (w + 4) % 6)
        _drain_gather(w % 6)
        _fire_writeback(w, w % 6)
        return carry

    lax.fori_loop(2, _NCHUNK - 4, _chunk, 0)

    for w in range(_NCHUNK - 4, _NCHUNK):
        _drain_writeback((w - 2) % 6)
        _drain_gather(w % 6)
        _fire_writeback(w, w % 6)

    _drain_writeback((_NCHUNK - 2) % 6)
    _drain_writeback((_NCHUNK - 1) % 6)


def kernel(X, tables):
    xr = X.reshape(_NW, _NCHUNK, _C)
    tp = jnp.pad(tables, ((0, 0), (0, 0), (0, _DIM))).reshape(_T_ROWS, 2 * _DIM)
    padded_out = _sc_gather(xr, tp)
    return padded_out[:, :_DIM]

# --- scband reference (transcript-rebuilt; emitter-appended) ---
"""Pipeline reference for scband-model-45518063403357 (READ-ONLY COPY).

The authoritative reference and input builder live on the scoring server;
editing this copy changes nothing except your own understanding.
"""

import jax, jax.numpy as jnp
import numpy as np

N_FIELDS = 26
VOCAB = 100000
DIM = 64
BATCH = 16384


def setup_inputs(seed: int = 0) -> dict:
    key = jax.random.key(seed)
    k1, k2 = jax.random.split(key)
    # Forward arg: X is [n_fields, batch]; row i holds the ids for field i.
    X = jax.random.randint(k1, (N_FIELDS, BATCH), 0, VOCAB, dtype=jnp.int32)
    # Learned parameters: one embedding table per field; all embeddims equal (64)
    # so we stack them into a single [n_fields, vocab, dim] array.
    tables = jax.random.normal(k2, (N_FIELDS, VOCAB, DIM), dtype=jnp.float32) * 0.02
    return {"X": X, "tables": tables}


def reference(X, tables):
    # Faithful translation of:
    #   torch.cat([self.embeddings[i](X[i:i+1])[0] for i in self.idxes])
    # X[i:i+1] -> [1, batch]; Embedding -> [1, batch, d]; [0] -> [batch, d];
    # cat along dim 0 (all embeddims are equal, so concat is well-formed).
    parts = [jnp.take(tables[i], X[i], axis=0) for i in range(N_FIELDS)]
    return jnp.concatenate(parts, axis=0)

if __name__ == "__main__":
    import jax
    _d = setup_inputs()
    print(jax.jit(kernel)(*tuple(_d.values())))

</pallas_src>

<mosaic_0001>
#map = affine_map<(d0, d1) -> (0, 0, 0)>
#map1 = affine_map<(d0, d1) -> (0, 0)>
module attributes {stable_mosaic.version = 14 : i64} {
  func.func @_sc_gather(%arg0: i32, %arg1: i32, %arg2: memref<32x104x128xi32, #tpu.memory_space<hbm>>, %arg3: memref<2600000x128xf32, #tpu.memory_space<hbm>>, %arg4: memref<425984x128xf32, #tpu.memory_space<hbm>>, %arg5: memref<104x128xi32, #tpu.memory_space<vmem>>, %arg6: memref<768x128xf32, #tpu.memory_space<vmem>>, %arg7: memref<!tpu.dma_semaphore, #tpu.memory_space<semaphore_mem>>, %arg8: memref<!tpu.dma_semaphore, #tpu.memory_space<semaphore_mem>>) attributes {dimension_semantics = [#tpu.dimension_semantics<core_parallel>, #tpu.dimension_semantics<subcore_parallel>], iteration_bounds = array<i64: 2, 16>, scalar_prefetch = 0 : i64, scratch_operands = 4 : i64, tpu.core_type = #tpu.core_type<sc_vector_subcore>, window_params = [{transform_indices = #map}, {transform_indices = #map1}, {transform_indices = #map1}]} {
    %mul3A = arith.constant 2 : i32
    %mul3A_0 = arith.muli %arg1, %mul3A : i32
    %add3A = arith.addi %mul3A_0, %arg0 : i32
    %mul3A_1 = arith.constant 13312 : i32
    %mul3A_2 = arith.muli %add3A, %mul3A_1 : i32
    "tpu.region"() ({
      %run_scoped3A = tpu.sem_alloc : memref<!tpu.dma_semaphore, #tpu.memory_space<semaphore_mem>>
      %dma_start3A_288 = arith.constant 0 : i32
      %dma_start3A_289 = arith.constant 0 : i32
      %dma_start3A_290 = tpu.memref_slice %arg2[%add3A, %dma_start3A_288, %dma_start3A_289] : memref<32x104x128xi32, #tpu.memory_space<hbm>> -> memref<1x104x128xi32, #tpu.memory_space<hbm>>
      %dma_start3A_291 = tpu.memref_squeeze %dma_start3A_290 : memref<1x104x128xi32, #tpu.memory_space<hbm>> -> memref<104x128xi32, #tpu.memory_space<hbm>>
      %dma_start3A_292 = arith.constant 0 : i32
      %dma_start3A_293 = arith.constant 0 : i32
      %dma_start3A_294 = tpu.memref_slice %arg2[%add3A, %dma_start3A_292, %dma_start3A_293] : memref<32x104x128xi32, #tpu.memory_space<hbm>> -> memref<1x104x128xi32, #tpu.memory_space<hbm>>
      %dma_start3A_295 = tpu.memref_squeeze %dma_start3A_294 : memref<1x104x128xi32, #tpu.memory_space<hbm>> -> memref<104x128xi32, #tpu.memory_space<hbm>>
      tpu.enqueue_dma source(%dma_start3A_295 : memref<104x128xi32, #tpu.memory_space<hbm>>) target(%arg5 : memref<104x128xi32, #tpu.memory_space<vmem>>) target_semaphore(%run_scoped3A : memref<!tpu.dma_semaphore, #tpu.memory_space<semaphore_mem>>)
      %dma_wait3A_296 = arith.constant 0 : i32
      %dma_wait3A_297 = arith.constant 0 : i32
      %dma_wait3A_298 = tpu.memref_slice %arg2[%add3A, %dma_wait3A_296, %dma_wait3A_297] : memref<32x104x128xi32, #tpu.memory_space<hbm>> -> memref<1x104x128xi32, #tpu.memory_space<hbm>>
      %dma_wait3A_299 = tpu.memref_squeeze %dma_wait3A_298 : memref<1x104x128xi32, #tpu.memory_space<hbm>> -> memref<104x128xi32, #tpu.memory_space<hbm>>
      %dma_wait3A_300 = arith.constant 0 : i32
      %dma_wait3A_301 = arith.constant 0 : i32
      %dma_wait3A_302 = tpu.memref_slice %arg2[%add3A, %dma_wait3A_300, %dma_wait3A_301] : memref<32x104x128xi32, #tpu.memory_space<hbm>> -> memref<1x104x128xi32, #tpu.memory_space<hbm>>
      %dma_wait3A_303 = tpu.memref_squeeze %dma_wait3A_302 : memref<1x104x128xi32, #tpu.memory_space<hbm>> -> memref<104x128xi32, #tpu.memory_space<hbm>>
      tpu.wait_dma2 semaphore(%run_scoped3A : memref<!tpu.dma_semaphore, #tpu.memory_space<semaphore_mem>>) src(%dma_wait3A_303 : memref<104x128xi32, #tpu.memory_space<hbm>>) dst(%arg5 : memref<104x128xi32, #tpu.memory_space<vmem>>)
      tpu.yield
    }) : () -> ()
    %scan3A = arith.constant 0 : i32
    %scan3A_3 = arith.constant 0 : i32
    %scan3A_4 = arith.constant 104 : i32
    %scan3A_5 = arith.addi %scan3A_3, %scan3A_4 : i32
    %scan3A_6 = arith.constant 1 : i32
    scf.for %scan3A_288 = %scan3A_3 to %scan3A_5 step %scan3A_6  : i32 {
      %mul3A_289 = arith.constant 128 : i32
      %mul3A_290 = arith.muli %scan3A_288, %mul3A_289 : i32
      %add3A_291 = arith.addi %mul3A_2, %mul3A_290 : i32
      %jit3A = arith.constant 16384 : i32
      %div3A = arith.divsi %add3A_291, %jit3A : i32
      %sign3A = arith.constant 0 : i32
      %sign3A_292 = arith.cmpi sgt, %add3A_291, %sign3A : i32
      %sign3A_293 = arith.extui %sign3A_292 : i1 to i32
      %sign3A_294 = arith.constant 0 : i32
      %sign3A_295 = arith.cmpi slt, %add3A_291, %sign3A_294 : i32
      %sign3A_296 = arith.extui %sign3A_295 : i1 to i32
      %sign3A_297 = arith.subi %sign3A_293, %sign3A_296 : i32
      %sign3A_298 = arith.constant 0 : i32
      %sign3A_299 = arith.cmpi sgt, %jit3A, %sign3A_298 : i32
      %sign3A_300 = arith.extui %sign3A_299 : i1 to i32
      %sign3A_301 = arith.constant 0 : i32
      %sign3A_302 = arith.cmpi slt, %jit3A, %sign3A_301 : i32
      %sign3A_303 = arith.extui %sign3A_302 : i1 to i32
      %sign3A_304 = arith.subi %sign3A_300, %sign3A_303 : i32
      %ne3A = arith.cmpi ne, %sign3A_297, %sign3A_304 : i32
      %rem3A = arith.remsi %add3A_291, %jit3A : i32
      %ne3A_305 = arith.constant 0 : i32
      %ne3A_306 = arith.cmpi ne, %rem3A, %ne3A_305 : i32
      %and3A = arith.andi %ne3A, %ne3A_306 : i1
      %sub3A = arith.constant 1 : i32
      %sub3A_307 = arith.subi %div3A, %sub3A : i32
      %select_n3A = arith.select %and3A, %sub3A_307, %div3A : i32
      %mul3A_308 = arith.constant 100000 : i32
      %mul3A_309 = arith.muli %select_n3A, %mul3A_308 : i32
      %get3A = arith.index_cast %scan3A_288 : i32 to index
      %get3A_310 = arith.constant 0 : index
      %get3A_311 = tpu.vector_load %arg5[%get3A, %get3A_310] {strides = array<i32>} : memref<104x128xi32, #tpu.memory_space<vmem>>, vector<16xi32>,
      %add3A_312 = vector.broadcast %mul3A_309 : i32 to vector<16xi32>
      %add3A_313 = arith.addi %get3A_311, %add3A_312 : vector<16xi32>
      %swap3A = arith.index_cast %scan3A_288 : i32 to index
      %swap3A_314 = arith.constant 0 : index
      %swap3A_315 = tpu.vector_load %arg5[%swap3A, %swap3A_314] {strides = array<i32>} : memref<104x128xi32, #tpu.memory_space<vmem>>, vector<16xi32>,
      tpu.vector_store %arg5[%swap3A, %swap3A_314], %add3A_313 {strides = array<i32>} : memref<104x128xi32, #tpu.memory_space<vmem>>, vector<16xi32>,
      %get3A_316 = arith.index_cast %scan3A_288 : i32 to index
      %get3A_317 = arith.constant 16 : index
      %get3A_318 = tpu.vector_load %arg5[%get3A_316, %get3A_317] {strides = array<i32>} : memref<104x128xi32, #tpu.memory_space<vmem>>, vector<16xi32>,
      %add3A_319 = vector.broadcast %mul3A_309 : i32 to vector<16xi32>
      %add3A_320 = arith.addi %get3A_318, %add3A_319 : vector<16xi32>
      %swap3A_321 = arith.index_cast %scan3A_288 : i32 to index
      %swap3A_322 = arith.constant 16 : index
      %swap3A_323 = tpu.vector_load %arg5[%swap3A_321, %swap3A_322] {strides = array<i32>} : memref<104x128xi32, #tpu.memory_space<vmem>>, vector<16xi32>,
      tpu.vector_store %arg5[%swap3A_321, %swap3A_322], %add3A_320 {strides = array<i32>} : memref<104x128xi32, #tpu.memory_space<vmem>>, vector<16xi32>,
      %get3A_324 = arith.index_cast %scan3A_288 : i32 to index
      %get3A_325 = arith.constant 32 : index
      %get3A_326 = tpu.vector_load %arg5[%get3A_324, %get3A_325] {strides = array<i32>} : memref<104x128xi32, #tpu.memory_space<vmem>>, vector<16xi32>,
      %add3A_327 = vector.broadcast %mul3A_309 : i32 to vector<16xi32>
      %add3A_328 = arith.addi %get3A_326, %add3A_327 : vector<16xi32>
      %swap3A_329 = arith.index_cast %scan3A_288 : i32 to index
      %swap3A_330 = arith.constant 32 : index
      %swap3A_331 = tpu.vector_load %arg5[%swap3A_329, %swap3A_330] {strides = array<i32>} : memref<104x128xi32, #tpu.memory_space<vmem>>, vector<16xi32>,
      tpu.vector_store %arg5[%swap3A_329, %swap3A_330], %add3A_328 {strides = array<i32>} : memref<104x128xi32, #tpu.memory_space<vmem>>, vector<16xi32>,
      %get3A_332 = arith.index_cast %scan3A_288 : i32 to index
      %get3A_333 = arith.constant 48 : index
      %get3A_334 = tpu.vector_load %arg5[%get3A_332, %get3A_333] {strides = array<i32>} : memref<104x128xi32, #tpu.memory_space<vmem>>, vector<16xi32>,
      %add3A_335 = vector.broadcast %mul3A_309 : i32 to vector<16xi32>
      %add3A_336 = arith.addi %get3A_334, %add3A_335 : vector<16xi32>
      %swap3A_337 = arith.index_cast %scan3A_288 : i32 to index
      %swap3A_338 = arith.constant 48 : index
      %swap3A_339 = tpu.vector_load %arg5[%swap3A_337, %swap3A_338] {strides = array<i32>} : memref<104x128xi32, #tpu.memory_space<vmem>>, vector<16xi32>,
      tpu.vector_store %arg5[%swap3A_337, %swap3A_338], %add3A_336 {strides = array<i32>} : memref<104x128xi32, #tpu.memory_space<vmem>>, vector<16xi32>,
      %get3A_340 = arith.index_cast %scan3A_288 : i32 to index
      %get3A_341 = arith.constant 64 : index
      %get3A_342 = tpu.vector_load %arg5[%get3A_340, %get3A_341] {strides = array<i32>} : memref<104x128xi32, #tpu.memory_space<vmem>>, vector<16xi32>,
      %add3A_343 = vector.broadcast %mul3A_309 : i32 to vector<16xi32>
      %add3A_344 = arith.addi %get3A_342, %add3A_343 : vector<16xi32>
      %swap3A_345 = arith.index_cast %scan3A_288 : i32 to index
      %swap3A_346 = arith.constant 64 : index
      %swap3A_347 = tpu.vector_load %arg5[%swap3A_345, %swap3A_346] {strides = array<i32>} : memref<104x128xi32, #tpu.memory_space<vmem>>, vector<16xi32>,
      tpu.vector_store %arg5[%swap3A_345, %swap3A_346], %add3A_344 {strides = array<i32>} : memref<104x128xi32, #tpu.memory_space<vmem>>, vector<16xi32>,
      %get3A_348 = arith.index_cast %scan3A_288 : i32 to index
      %get3A_349 = arith.constant 80 : index
      %get3A_350 = tpu.vector_load %arg5[%get3A_348, %get3A_349] {strides = array<i32>} : memref<104x128xi32, #tpu.memory_space<vmem>>, vector<16xi32>,
      %add3A_351 = vector.broadcast %mul3A_309 : i32 to vector<16xi32>
      %add3A_352 = arith.addi %get3A_350, %add3A_351 : vector<16xi32>
      %swap3A_353 = arith.index_cast %scan3A_288 : i32 to index
      %swap3A_354 = arith.constant 80 : index
      %swap3A_355 = tpu.vector_load %arg5[%swap3A_353, %swap3A_354] {strides = array<i32>} : memref<104x128xi32, #tpu.memory_space<vmem>>, vector<16xi32>,
      tpu.vector_store %arg5[%swap3A_353, %swap3A_354], %add3A_352 {strides = array<i32>} : memref<104x128xi32, #tpu.memory_space<vmem>>, vector<16xi32>,
      %get3A_356 = arith.index_cast %scan3A_288 : i32 to index
      %get3A_357 = arith.constant 96 : index
      %get3A_358 = tpu.vector_load %arg5[%get3A_356, %get3A_357] {strides = array<i32>} : memref<104x128xi32, #tpu.memory_space<vmem>>, vector<16xi32>,
      %add3A_359 = vector.broadcast %mul3A_309 : i32 to vector<16xi32>
      %add3A_360 = arith.addi %get3A_358, %add3A_359 : vector<16xi32>
      %swap3A_361 = arith.index_cast %scan3A_288 : i32 to index
      %swap3A_362 = arith.constant 96 : index
      %swap3A_363 = tpu.vector_load %arg5[%swap3A_361, %swap3A_362] {strides = array<i32>} : memref<104x128xi32, #tpu.memory_space<vmem>>, vector<16xi32>,
      tpu.vector_store %arg5[%swap3A_361, %swap3A_362], %add3A_360 {strides = array<i32>} : memref<104x128xi32, #tpu.memory_space<vmem>>, vector<16xi32>,
      %get3A_364 = arith.index_cast %scan3A_288 : i32 to index
      %get3A_365 = arith.constant 112 : index
      %get3A_366 = tpu.vector_load %arg5[%get3A_364, %get3A_365] {strides = array<i32>} : memref<104x128xi32, #tpu.memory_space<vmem>>, vector<16xi32>,
      %add3A_367 = vector.broadcast %mul3A_309 : i32 to vector<16xi32>
      %add3A_368 = arith.addi %get3A_366, %add3A_367 : vector<16xi32>
      %swap3A_369 = arith.index_cast %scan3A_288 : i32 to index
      %swap3A_370 = arith.constant 112 : index
      %swap3A_371 = tpu.vector_load %arg5[%swap3A_369, %swap3A_370] {strides = array<i32>} : memref<104x128xi32, #tpu.memory_space<vmem>>, vector<16xi32>,
      tpu.vector_store %arg5[%swap3A_369, %swap3A_370], %add3A_368 {strides = array<i32>} : memref<104x128xi32, #tpu.memory_space<vmem>>, vector<16xi32>,
    }
    %scan3A_7 = arith.constant 104 : i32
    %dma_start3A = arith.constant 0 : i32
    %dma_start3A_8 = arith.constant 0 : i32
    %dma_start3A_9 = arith.constant 0 : i32
    %dma_start3A_10 = tpu.memref_slice %arg6[%dma_start3A_8, %dma_start3A_9] : memref<768x128xf32, #tpu.memory_space<vmem>> -> memref<128x128xf32, #tpu.memory_space<vmem>>
    %dma_start3A_11 = arith.constant 0 : i32
    %dma_start3A_12 = tpu.memref_slice %arg5[%dma_start3A, %dma_start3A_11] : memref<104x128xi32, #tpu.memory_space<vmem>> -> memref<1x128xi32, #tpu.memory_space<vmem>>
    %dma_start3A_13 = tpu.memref_squeeze %dma_start3A_12 : memref<1x128xi32, #tpu.memory_space<vmem>> -> memref<128xi32, #tpu.memory_space<vmem>>
    %dma_start3A_14 = arith.constant 0 : i32
    %dma_start3A_15 = arith.constant 0 : i32
    %dma_start3A_16 = tpu.memref_slice %arg3[%dma_start3A_14, %dma_start3A_15] : memref<2600000x128xf32, #tpu.memory_space<hbm>> -> memref<2600000x128xf32, #tpu.memory_space<hbm>>
    tpu.enqueue_indirect_dma source(%dma_start3A_16 : memref<2600000x128xf32, #tpu.memory_space<hbm>>) target(%dma_start3A_10 : memref<128x128xf32, #tpu.memory_space<vmem>>) offsets(%dma_start3A_13 : memref<128xi32, #tpu.memory_space<vmem>>) semaphore(%arg7 : memref<!tpu.dma_semaphore, #tpu.memory_space<semaphore_mem>>)
    %dma_start3A_17 = arith.constant 1 : i32
    %dma_start3A_18 = arith.constant 128 : i32
    %dma_start3A_19 = arith.constant 0 : i32
    %dma_start3A_20 = tpu.memref_slice %arg6[%dma_start3A_18, %dma_start3A_19] : memref<768x128xf32, #tpu.memory_space<vmem>> -> memref<128x128xf32, #tpu.memory_space<vmem>>
    %dma_start3A_21 = arith.constant 0 : i32
    %dma_start3A_22 = tpu.memref_slice %arg5[%dma_start3A_17, %dma_start3A_21] : memref<104x128xi32, #tpu.memory_space<vmem>> -> memref<1x128xi32, #tpu.memory_space<vmem>>
    %dma_start3A_23 = tpu.memref_squeeze %dma_start3A_22 : memref<1x128xi32, #tpu.memory_space<vmem>> -> memref<128xi32, #tpu.memory_space<vmem>>
    %dma_start3A_24 = arith.constant 0 : i32
    %dma_start3A_25 = arith.constant 0 : i32
    %dma_start3A_26 = tpu.memref_slice %arg3[%dma_start3A_24, %dma_start3A_25] : memref<2600000x128xf32, #tpu.memory_space<hbm>> -> memref<2600000x128xf32, #tpu.memory_space<hbm>>
    tpu.enqueue_indirect_dma source(%dma_start3A_26 : memref<2600000x128xf32, #tpu.memory_space<hbm>>) target(%dma_start3A_20 : memref<128x128xf32, #tpu.memory_space<vmem>>) offsets(%dma_start3A_23 : memref<128xi32, #tpu.memory_space<vmem>>) semaphore(%arg7 : memref<!tpu.dma_semaphore, #tpu.memory_space<semaphore_mem>>)
    %dma_start3A_27 = arith.constant 2 : i32
    %dma_start3A_28 = arith.constant 256 : i32
    %dma_start3A_29 = arith.constant 0 : i32
    %dma_start3A_30 = tpu.memref_slice %arg6[%dma_start3A_28, %dma_start3A_29] : memref<768x128xf32, #tpu.memory_space<vmem>> -> memref<128x128xf32, #tpu.memory_space<vmem>>
    %dma_start3A_31 = arith.constant 0 : i32
    %dma_start3A_32 = tpu.memref_slice %arg5[%dma_start3A_27, %dma_start3A_31] : memref<104x128xi32, #tpu.memory_space<vmem>> -> memref<1x128xi32, #tpu.memory_space<vmem>>
    %dma_start3A_33 = tpu.memref_squeeze %dma_start3A_32 : memref<1x128xi32, #tpu.memory_space<vmem>> -> memref<128xi32, #tpu.memory_space<vmem>>
    %dma_start3A_34 = arith.constant 0 : i32
    %dma_start3A_35 = arith.constant 0 : i32
    %dma_start3A_36 = tpu.memref_slice %arg3[%dma_start3A_34, %dma_start3A_35] : memref<2600000x128xf32, #tpu.memory_space<hbm>> -> memref<2600000x128xf32, #tpu.memory_space<hbm>>
    tpu.enqueue_indirect_dma source(%dma_start3A_36 : memref<2600000x128xf32, #tpu.memory_space<hbm>>) target(%dma_start3A_30 : memref<128x128xf32, #tpu.memory_space<vmem>>) offsets(%dma_start3A_33 : memref<128xi32, #tpu.memory_space<vmem>>) semaphore(%arg7 : memref<!tpu.dma_semaphore, #tpu.memory_space<semaphore_mem>>)
    %dma_start3A_37 = arith.constant 3 : i32
    %dma_start3A_38 = arith.constant 384 : i32
    %dma_start3A_39 = arith.constant 0 : i32
    %dma_start3A_40 = tpu.memref_slice %arg6[%dma_start3A_38, %dma_start3A_39] : memref<768x128xf32, #tpu.memory_space<vmem>> -> memref<128x128xf32, #tpu.memory_space<vmem>>
    %dma_start3A_41 = arith.constant 0 : i32
    %dma_start3A_42 = tpu.memref_slice %arg5[%dma_start3A_37, %dma_start3A_41] : memref<104x128xi32, #tpu.memory_space<vmem>> -> memref<1x128xi32, #tpu.memory_space<vmem>>
    %dma_start3A_43 = tpu.memref_squeeze %dma_start3A_42 : memref<1x128xi32, #tpu.memory_space<vmem>> -> memref<128xi32, #tpu.memory_space<vmem>>
    %dma_start3A_44 = arith.constant 0 : i32
    %dma_start3A_45 = arith.constant 0 : i32
    %dma_start3A_46 = tpu.memref_slice %arg3[%dma_start3A_44, %dma_start3A_45] : memref<2600000x128xf32, #tpu.memory_space<hbm>> -> memref<2600000x128xf32, #tpu.memory_space<hbm>>
    tpu.enqueue_indirect_dma source(%dma_start3A_46 : memref<2600000x128xf32, #tpu.memory_space<hbm>>) target(%dma_start3A_40 : memref<128x128xf32, #tpu.memory_space<vmem>>) offsets(%dma_start3A_43 : memref<128xi32, #tpu.memory_space<vmem>>) semaphore(%arg7 : memref<!tpu.dma_semaphore, #tpu.memory_space<semaphore_mem>>)
    %dma_start3A_47 = arith.constant 4 : i32
    %dma_start3A_48 = arith.constant 512 : i32
    %dma_start3A_49 = arith.constant 0 : i32
    %dma_start3A_50 = tpu.memref_slice %arg6[%dma_start3A_48, %dma_start3A_49] : memref<768x128xf32, #tpu.memory_space<vmem>> -> memref<128x128xf32, #tpu.memory_space<vmem>>
    %dma_start3A_51 = arith.constant 0 : i32
    %dma_start3A_52 = tpu.memref_slice %arg5[%dma_start3A_47, %dma_start3A_51] : memref<104x128xi32, #tpu.memory_space<vmem>> -> memref<1x128xi32, #tpu.memory_space<vmem>>
    %dma_start3A_53 = tpu.memref_squeeze %dma_start3A_52 : memref<1x128xi32, #tpu.memory_space<vmem>> -> memref<128xi32, #tpu.memory_space<vmem>>
    %dma_start3A_54 = arith.constant 0 : i32
    %dma_start3A_55 = arith.constant 0 : i32
    %dma_start3A_56 = tpu.memref_slice %arg3[%dma_start3A_54, %dma_start3A_55] : memref<2600000x128xf32, #tpu.memory_space<hbm>> -> memref<2600000x128xf32, #tpu.memory_space<hbm>>
    tpu.enqueue_indirect_dma source(%dma_start3A_56 : memref<2600000x128xf32, #tpu.memory_space<hbm>>) target(%dma_start3A_50 : memref<128x128xf32, #tpu.memory_space<vmem>>) offsets(%dma_start3A_53 : memref<128xi32, #tpu.memory_space<vmem>>) semaphore(%arg7 : memref<!tpu.dma_semaphore, #tpu.memory_space<semaphore_mem>>)
    %dma_wait3A = arith.constant 0 : i32
    %dma_wait3A_57 = arith.constant 0 : i32
    %dma_wait3A_58 = tpu.memref_slice %arg6[%dma_wait3A, %dma_wait3A_57] : memref<768x128xf32, #tpu.memory_space<vmem>> -> memref<128x128xf32, #tpu.memory_space<vmem>>
    %dma_wait3A_59 = arith.constant 0 : i32
    %dma_wait3A_60 = arith.constant 0 : i32
    %dma_wait3A_61 = tpu.memref_slice %arg3[%dma_wait3A_59, %dma_wait3A_60] : memref<2600000x128xf32, #tpu.memory_space<hbm>> -> memref<128x128xf32, #tpu.memory_space<hbm>>
    %dma_wait3A_62 = arith.constant 0 : i32
    %dma_wait3A_63 = arith.constant 0 : i32
    %dma_wait3A_64 = tpu.memref_slice %arg6[%dma_wait3A_62, %dma_wait3A_63] : memref<768x128xf32, #tpu.memory_space<vmem>> -> memref<128x128xf32, #tpu.memory_space<vmem>>
    %dma_wait3A_65 = arith.constant 0 : i32
    %dma_wait3A_66 = arith.constant 0 : i32
    %dma_wait3A_67 = tpu.memref_slice %arg3[%dma_wait3A_65, %dma_wait3A_66] : memref<2600000x128xf32, #tpu.memory_space<hbm>> -> memref<128x128xf32, #tpu.memory_space<hbm>>
    tpu.wait_dma2 semaphore(%arg7 : memref<!tpu.dma_semaphore, #tpu.memory_space<semaphore_mem>>) src(%dma_wait3A_67 : memref<128x128xf32, #tpu.memory_space<hbm>>) dst(%dma_wait3A_64 : memref<128x128xf32, #tpu.memory_space<vmem>>)
    %add3A_68 = arith.constant 0 : i32
    %add3A_69 = arith.addi %mul3A_2, %add3A_68 : i32
    %dma_start3A_70 = arith.constant 0 : i32
    %dma_start3A_71 = arith.constant 0 : i32
    %dma_start3A_72 = tpu.memref_slice %arg6[%dma_start3A_70, %dma_start3A_71] : memref<768x128xf32, #tpu.memory_space<vmem>> -> memref<128x128xf32, #tpu.memory_space<vmem>>
    %dma_start3A_73 = arith.constant 0 : i32
    %dma_start3A_74 = tpu.memref_slice %arg4[%add3A_69, %dma_start3A_73] : memref<425984x128xf32, #tpu.memory_space<hbm>> -> memref<128x128xf32, #tpu.memory_space<hbm>>
    %dma_start3A_75 = arith.constant 0 : i32
    %dma_start3A_76 = tpu.memref_slice %arg4[%add3A_69, %dma_start3A_75] : memref<425984x128xf32, #tpu.memory_space<hbm>> -> memref<128x128xf32, #tpu.memory_space<hbm>>
    %dma_start3A_77 = arith.constant 0 : i32
    %dma_start3A_78 = arith.constant 0 : i32
    %dma_start3A_79 = tpu.memref_slice %arg6[%dma_start3A_77, %dma_start3A_78] : memref<768x128xf32, #tpu.memory_space<vmem>> -> memref<128x128xf32, #tpu.memory_space<vmem>>
    tpu.enqueue_dma source(%dma_start3A_79 : memref<128x128xf32, #tpu.memory_space<vmem>>) target(%dma_start3A_76 : memref<128x128xf32, #tpu.memory_space<hbm>>) target_semaphore(%arg8 : memref<!tpu.dma_semaphore, #tpu.memory_space<semaphore_mem>>)
    %dma_start3A_80 = arith.constant 5 : i32
    %dma_start3A_81 = arith.constant 640 : i32
    %dma_start3A_82 = arith.constant 0 : i32
    %dma_start3A_83 = tpu.memref_slice %arg6[%dma_start3A_81, %dma_start3A_82] : memref<768x128xf32, #tpu.memory_space<vmem>> -> memref<128x128xf32, #tpu.memory_space<vmem>>
    %dma_start3A_84 = arith.constant 0 : i32
    %dma_start3A_85 = tpu.memref_slice %arg5[%dma_start3A_80, %dma_start3A_84] : memref<104x128xi32, #tpu.memory_space<vmem>> -> memref<1x128xi32, #tpu.memory_space<vmem>>
    %dma_start3A_86 = tpu.memref_squeeze %dma_start3A_85 : memref<1x128xi32, #tpu.memory_space<vmem>> -> memref<128xi32, #tpu.memory_space<vmem>>
    %dma_start3A_87 = arith.constant 0 : i32
    %dma_start3A_88 = arith.constant 0 : i32
    %dma_start3A_89 = tpu.memref_slice %arg3[%dma_start3A_87, %dma_start3A_88] : memref<2600000x128xf32, #tpu.memory_space<hbm>> -> memref<2600000x128xf32, #tpu.memory_space<hbm>>
    tpu.enqueue_indirect_dma source(%dma_start3A_89 : memref<2600000x128xf32, #tpu.memory_space<hbm>>) target(%dma_start3A_83 : memref<128x128xf32, #tpu.memory_space<vmem>>) offsets(%dma_start3A_86 : memref<128xi32, #tpu.memory_space<vmem>>) semaphore(%arg7 : memref<!tpu.dma_semaphore, #tpu.memory_space<semaphore_mem>>)
    %dma_wait3A_90 = arith.constant 128 : i32
    %dma_wait3A_91 = arith.constant 0 : i32
    %dma_wait3A_92 = tpu.memref_slice %arg6[%dma_wait3A_90, %dma_wait3A_91] : memref<768x128xf32, #tpu.memory_space<vmem>> -> memref<128x128xf32, #tpu.memory_space<vmem>>
    %dma_wait3A_93 = arith.constant 0 : i32
    %dma_wait3A_94 = arith.constant 0 : i32
    %dma_wait3A_95 = tpu.memref_slice %arg3[%dma_wait3A_93, %dma_wait3A_94] : memref<2600000x128xf32, #tpu.memory_space<hbm>> -> memref<128x128xf32, #tpu.memory_space<hbm>>
    %dma_wait3A_96 = arith.constant 128 : i32
    %dma_wait3A_97 = arith.constant 0 : i32
    %dma_wait3A_98 = tpu.memref_slice %arg6[%dma_wait3A_96, %dma_wait3A_97] : memref<768x128xf32, #tpu.memory_space<vmem>> -> memref<128x128xf32, #tpu.memory_space<vmem>>
    %dma_wait3A_99 = arith.constant 0 : i32
    %dma_wait3A_100 = arith.constant 0 : i32
    %dma_wait3A_101 = tpu.memref_slice %arg3[%dma_wait3A_99, %dma_wait3A_100] : memref<2600000x128xf32, #tpu.memory_space<hbm>> -> memref<128x128xf32, #tpu.memory_space<hbm>>
    tpu.wait_dma2 semaphore(%arg7 : memref<!tpu.dma_semaphore, #tpu.memory_space<semaphore_mem>>) src(%dma_wait3A_101 : memref<128x128xf32, #tpu.memory_space<hbm>>) dst(%dma_wait3A_98 : memref<128x128xf32, #tpu.memory_space<vmem>>)
    %add3A_102 = arith.constant 128 : i32
    %add3A_103 = arith.addi %mul3A_2, %add3A_102 : i32
    %dma_start3A_104 = arith.constant 128 : i32
    %dma_start3A_105 = arith.constant 0 : i32
    %dma_start3A_106 = tpu.memref_slice %arg6[%dma_start3A_104, %dma_start3A_105] : memref<768x128xf32, #tpu.memory_space<vmem>> -> memref<128x128xf32, #tpu.memory_space<vmem>>
    %dma_start3A_107 = arith.constant 0 : i32
    %dma_start3A_108 = tpu.memref_slice %arg4[%add3A_103, %dma_start3A_107] : memref<425984x128xf32, #tpu.memory_space<hbm>> -> memref<128x128xf32, #tpu.memory_space<hbm>>
    %dma_start3A_109 = arith.constant 0 : i32
    %dma_start3A_110 = tpu.memref_slice %arg4[%add3A_103, %dma_start3A_109] : memref<425984x128xf32, #tpu.memory_space<hbm>> -> memref<128x128xf32, #tpu.memory_space<hbm>>
    %dma_start3A_111 = arith.constant 128 : i32
    %dma_start3A_112 = arith.constant 0 : i32
    %dma_start3A_113 = tpu.memref_slice %arg6[%dma_start3A_111, %dma_start3A_112] : memref<768x128xf32, #tpu.memory_space<vmem>> -> memref<128x128xf32, #tpu.memory_space<vmem>>
    tpu.enqueue_dma source(%dma_start3A_113 : memref<128x128xf32, #tpu.memory_space<vmem>>) target(%dma_start3A_110 : memref<128x128xf32, #tpu.memory_space<hbm>>) target_semaphore(%arg8 : memref<!tpu.dma_semaphore, #tpu.memory_space<semaphore_mem>>)
    %scan3A_114 = arith.constant 0 : i32
    %scan3A_115 = arith.constant 2 : i32
    %scan3A_116 = arith.constant 98 : i32
    %scan3A_117 = arith.addi %scan3A_115, %scan3A_116 : i32
    %scan3A_118 = arith.constant 1 : i32
    scf.for %scan3A_288 = %scan3A_115 to %scan3A_117 step %scan3A_118  : i32 {
      %sub3A = arith.constant 2 : i32
      %sub3A_289 = arith.subi %scan3A_288, %sub3A : i32
      %jit3A = arith.constant 6 : i32
      %eq3A = arith.constant 0 : i32
      %eq3A_290 = arith.cmpi eq, %jit3A, %eq3A : i32
      %jit3A_291 = arith.constant 1 : i32
      %select_n3A = arith.select %eq3A_290, %jit3A_291, %jit3A : i32
      %rem3A = arith.remsi %sub3A_289, %select_n3A : i32
      %ne3A = arith.constant 0 : i32
      %ne3A_292 = arith.cmpi ne, %rem3A, %ne3A : i32
      %lt3A = arith.constant 0 : i32
      %lt3A_293 = arith.cmpi slt, %rem3A, %lt3A : i32
      %lt3A_294 = arith.constant 0 : i32
      %lt3A_295 = arith.cmpi slt, %select_n3A, %lt3A_294 : i32
      %ne3A_296 = arith.xori %lt3A_293, %lt3A_295 : i1
      %and3A = arith.andi %ne3A_296, %ne3A_292 : i1
      %add3A_297 = arith.addi %rem3A, %select_n3A : i32
      %select_n3A_298 = arith.select %and3A, %add3A_297, %rem3A : i32
      %mul3A_299 = arith.constant 128 : i32
      %mul3A_300 = arith.muli %select_n3A_298, %mul3A_299 : i32
      %dma_wait3A_301 = arith.constant 0 : i32
      %dma_wait3A_302 = tpu.memref_slice %arg6[%mul3A_300, %dma_wait3A_301] : memref<768x128xf32, #tpu.memory_space<vmem>> -> memref<128x128xf32, #tpu.memory_space<vmem>>
      %dma_wait3A_303 = arith.constant 0 : i32
      %dma_wait3A_304 = arith.constant 0 : i32
      %dma_wait3A_305 = tpu.memref_slice %arg3[%dma_wait3A_303, %dma_wait3A_304] : memref<2600000x128xf32, #tpu.memory_space<hbm>> -> memref<128x128xf32, #tpu.memory_space<hbm>>
      %dma_wait3A_306 = arith.constant 0 : i32
      %dma_wait3A_307 = tpu.memref_slice %arg6[%mul3A_300, %dma_wait3A_306] : memref<768x128xf32, #tpu.memory_space<vmem>> -> memref<128x128xf32, #tpu.memory_space<vmem>>
      %dma_wait3A_308 = arith.constant 0 : i32
      %dma_wait3A_309 = arith.constant 0 : i32
      %dma_wait3A_310 = tpu.memref_slice %arg3[%dma_wait3A_308, %dma_wait3A_309] : memref<2600000x128xf32, #tpu.memory_space<hbm>> -> memref<128x128xf32, #tpu.memory_space<hbm>>
      tpu.wait_dma2 semaphore(%arg8 : memref<!tpu.dma_semaphore, #tpu.memory_space<semaphore_mem>>) src(%dma_wait3A_310 : memref<128x128xf32, #tpu.memory_space<hbm>>) dst(%dma_wait3A_307 : memref<128x128xf32, #tpu.memory_space<vmem>>)
      %add3A_311 = arith.constant 4 : i32
      %add3A_312 = arith.addi %scan3A_288, %add3A_311 : i32
      %add3A_313 = arith.constant 4 : i32
      %add3A_314 = arith.addi %scan3A_288, %add3A_313 : i32
      %jit3A_315 = arith.constant 6 : i32
      %eq3A_316 = arith.constant 0 : i32
      %eq3A_317 = arith.cmpi eq, %jit3A_315, %eq3A_316 : i32
      %jit3A_318 = arith.constant 1 : i32
      %select_n3A_319 = arith.select %eq3A_317, %jit3A_318, %jit3A_315 : i32
      %rem3A_320 = arith.remsi %add3A_314, %select_n3A_319 : i32
      %ne3A_321 = arith.constant 0 : i32
      %ne3A_322 = arith.cmpi ne, %rem3A_320, %ne3A_321 : i32
      %lt3A_323 = arith.constant 0 : i32
      %lt3A_324 = arith.cmpi slt, %rem3A_320, %lt3A_323 : i32
      %lt3A_325 = arith.constant 0 : i32
      %lt3A_326 = arith.cmpi slt, %select_n3A_319, %lt3A_325 : i32
      %ne3A_327 = arith.xori %lt3A_324, %lt3A_326 : i1
      %and3A_328 = arith.andi %ne3A_327, %ne3A_322 : i1
      %add3A_329 = arith.addi %rem3A_320, %select_n3A_319 : i32
      %select_n3A_330 = arith.select %and3A_328, %add3A_329, %rem3A_320 : i32
      %mul3A_331 = arith.constant 128 : i32
      %mul3A_332 = arith.muli %select_n3A_330, %mul3A_331 : i32
      %dma_start3A_333 = arith.constant 0 : i32
      %dma_start3A_334 = tpu.memref_slice %arg6[%mul3A_332, %dma_start3A_333] : memref<768x128xf32, #tpu.memory_space<vmem>> -> memref<128x128xf32, #tpu.memory_space<vmem>>
      %dma_start3A_335 = arith.constant 0 : i32
      %dma_start3A_336 = tpu.memref_slice %arg5[%add3A_312, %dma_start3A_335] : memref<104x128xi32, #tpu.memory_space<vmem>> -> memref<1x128xi32, #tpu.memory_space<vmem>>
      %dma_start3A_337 = tpu.memref_squeeze %dma_start3A_336 : memref<1x128xi32, #tpu.memory_space<vmem>> -> memref<128xi32, #tpu.memory_space<vmem>>
      %dma_start3A_338 = arith.constant 0 : i32
      %dma_start3A_339 = arith.constant 0 : i32
      %dma_start3A_340 = tpu.memref_slice %arg3[%dma_start3A_338, %dma_start3A_339] : memref<2600000x128xf32, #tpu.memory_space<hbm>> -> memref<2600000x128xf32, #tpu.memory_space<hbm>>
      tpu.enqueue_indirect_dma source(%dma_start3A_340 : memref<2600000x128xf32, #tpu.memory_space<hbm>>) target(%dma_start3A_334 : memref<128x128xf32, #tpu.memory_space<vmem>>) offsets(%dma_start3A_337 : memref<128xi32, #tpu.memory_space<vmem>>) semaphore(%arg7 : memref<!tpu.dma_semaphore, #tpu.memory_space<semaphore_mem>>)
      %jit3A_341 = arith.constant 6 : i32
      %eq3A_342 = arith.constant 0 : i32
      %eq3A_343 = arith.cmpi eq, %jit3A_341, %eq3A_342 : i32
      %jit3A_344 = arith.constant 1 : i32
      %select_n3A_345 = arith.select %eq3A_343, %jit3A_344, %jit3A_341 : i32
      %rem3A_346 = arith.remsi %scan3A_288, %select_n3A_345 : i32
      %ne3A_347 = arith.constant 0 : i32
      %ne3A_348 = arith.cmpi ne, %rem3A_346, %ne3A_347 : i32
      %lt3A_349 = arith.constant 0 : i32
      %lt3A_350 = arith.cmpi slt, %rem3A_346, %lt3A_349 : i32
      %lt3A_351 = arith.constant 0 : i32
      %lt3A_352 = arith.cmpi slt, %select_n3A_345, %lt3A_351 : i32
      %ne3A_353 = arith.xori %lt3A_350, %lt3A_352 : i1
      %and3A_354 = arith.andi %ne3A_353, %ne3A_348 : i1
      %add3A_355 = arith.addi %rem3A_346, %select_n3A_345 : i32
      %select_n3A_356 = arith.select %and3A_354, %add3A_355, %rem3A_346 : i32
      %mul3A_357 = arith.constant 128 : i32
      %mul3A_358 = arith.muli %select_n3A_356, %mul3A_357 : i32
      %dma_wait3A_359 = arith.constant 0 : i32
      %dma_wait3A_360 = tpu.memref_slice %arg6[%mul3A_358, %dma_wait3A_359] : memref<768x128xf32, #tpu.memory_space<vmem>> -> memref<128x128xf32, #tpu.memory_space<vmem>>
      %dma_wait3A_361 = arith.constant 0 : i32
      %dma_wait3A_362 = arith.constant 0 : i32
      %dma_wait3A_363 = tpu.memref_slice %arg3[%dma_wait3A_361, %dma_wait3A_362] : memref<2600000x128xf32, #tpu.memory_space<hbm>> -> memref<128x128xf32, #tpu.memory_space<hbm>>
      %dma_wait3A_364 = arith.constant 0 : i32
      %dma_wait3A_365 = tpu.memref_slice %arg6[%mul3A_358, %dma_wait3A_364] : memref<768x128xf32, #tpu.memory_space<vmem>> -> memref<128x128xf32, #tpu.memory_space<vmem>>
      %dma_wait3A_366 = arith.constant 0 : i32
      %dma_wait3A_367 = arith.constant 0 : i32
      %dma_wait3A_368 = tpu.memref_slice %arg3[%dma_wait3A_366, %dma_wait3A_367] : memref<2600000x128xf32, #tpu.memory_space<hbm>> -> memref<128x128xf32, #tpu.memory_space<hbm>>
      tpu.wait_dma2 semaphore(%arg7 : memref<!tpu.dma_semaphore, #tpu.memory_space<semaphore_mem>>) src(%dma_wait3A_368 : memref<128x128xf32, #tpu.memory_space<hbm>>) dst(%dma_wait3A_365 : memref<128x128xf32, #tpu.memory_space<vmem>>)
      %jit3A_369 = arith.constant 6 : i32
      %eq3A_370 = arith.constant 0 : i32
      %eq3A_371 = arith.cmpi eq, %jit3A_369, %eq3A_370 : i32
      %jit3A_372 = arith.constant 1 : i32
      %select_n3A_373 = arith.select %eq3A_371, %jit3A_372, %jit3A_369 : i32
      %rem3A_374 = arith.remsi %scan3A_288, %select_n3A_373 : i32
      %ne3A_375 = arith.constant 0 : i32
      %ne3A_376 = arith.cmpi ne, %rem3A_374, %ne3A_375 : i32
      %lt3A_377 = arith.constant 0 : i32
      %lt3A_378 = arith.cmpi slt, %rem3A_374, %lt3A_377 : i32
      %lt3A_379 = arith.constant 0 : i32
      %lt3A_380 = arith.cmpi slt, %select_n3A_373, %lt3A_379 : i32
      %ne3A_381 = arith.xori %lt3A_378, %lt3A_380 : i1
      %and3A_382 = arith.andi %ne3A_381, %ne3A_376 : i1
      %add3A_383 = arith.addi %rem3A_374, %select_n3A_373 : i32
      %select_n3A_384 = arith.select %and3A_382, %add3A_383, %rem3A_374 : i32
      %mul3A_385 = arith.constant 128 : i32
      %mul3A_386 = arith.muli %select_n3A_384, %mul3A_385 : i32
      %mul3A_387 = arith.constant 128 : i32
      %mul3A_388 = arith.muli %scan3A_288, %mul3A_387 : i32
      %add3A_389 = arith.addi %mul3A_2, %mul3A_388 : i32
      %dma_start3A_390 = arith.constant 0 : i32
      %dma_start3A_391 = tpu.memref_slice %arg6[%mul3A_386, %dma_start3A_390] : memref<768x128xf32, #tpu.memory_space<vmem>> -> memref<128x128xf32, #tpu.memory_space<vmem>>
      %dma_start3A_392 = arith.constant 0 : i32
      %dma_start3A_393 = tpu.memref_slice %arg4[%add3A_389, %dma_start3A_392] : memref<425984x128xf32, #tpu.memory_space<hbm>> -> memref<128x128xf32, #tpu.memory_space<hbm>>
      %dma_start3A_394 = arith.constant 0 : i32
      %dma_start3A_395 = tpu.memref_slice %arg4[%add3A_389, %dma_start3A_394] : memref<425984x128xf32, #tpu.memory_space<hbm>> -> memref<128x128xf32, #tpu.memory_space<hbm>>
      %dma_start3A_396 = arith.constant 0 : i32
      %dma_start3A_397 = tpu.memref_slice %arg6[%mul3A_386, %dma_start3A_396] : memref<768x128xf32, #tpu.memory_space<vmem>> -> memref<128x128xf32, #tpu.memory_space<vmem>>
      tpu.enqueue_dma source(%dma_start3A_397 : memref<128x128xf32, #tpu.memory_space<vmem>>) target(%dma_start3A_395 : memref<128x128xf32, #tpu.memory_space<hbm>>) target_semaphore(%arg8 : memref<!tpu.dma_semaphore, #tpu.memory_space<semaphore_mem>>)
    }
    %scan3A_119 = arith.constant 98 : i32
    %dma_wait3A_120 = arith.constant 256 : i32
    %dma_wait3A_121 = arith.constant 0 : i32
    %dma_wait3A_122 = tpu.memref_slice %arg6[%dma_wait3A_120, %dma_wait3A_121] : memref<768x128xf32, #tpu.memory_space<vmem>> -> memref<128x128xf32, #tpu.memory_space<vmem>>
    %dma_wait3A_123 = arith.constant 0 : i32
    %dma_wait3A_124 = arith.constant 0 : i32
    %dma_wait3A_125 = tpu.memref_slice %arg3[%dma_wait3A_123, %dma_wait3A_124] : memref<2600000x128xf32, #tpu.memory_space<hbm>> -> memref<128x128xf32, #tpu.memory_space<hbm>>
    %dma_wait3A_126 = arith.constant 256 : i32
    %dma_wait3A_127 = arith.constant 0 : i32
    %dma_wait3A_128 = tpu.memref_slice %arg6[%dma_wait3A_126, %dma_wait3A_127] : memref<768x128xf32, #tpu.memory_space<vmem>> -> memref<128x128xf32, #tpu.memory_space<vmem>>
    %dma_wait3A_129 = arith.constant 0 : i32
    %dma_wait3A_130 = arith.constant 0 : i32
    %dma_wait3A_131 = tpu.memref_slice %arg3[%dma_wait3A_129, %dma_wait3A_130] : memref<2600000x128xf32, #tpu.memory_space<hbm>> -> memref<128x128xf32, #tpu.memory_space<hbm>>
    tpu.wait_dma2 semaphore(%arg8 : memref<!tpu.dma_semaphore, #tpu.memory_space<semaphore_mem>>) src(%dma_wait3A_131 : memref<128x128xf32, #tpu.memory_space<hbm>>) dst(%dma_wait3A_128 : memref<128x128xf32, #tpu.memory_space<vmem>>)
    %dma_wait3A_132 = arith.constant 512 : i32
    %dma_wait3A_133 = arith.constant 0 : i32
    %dma_wait3A_134 = tpu.memref_slice %arg6[%dma_wait3A_132, %dma_wait3A_133] : memref<768x128xf32, #tpu.memory_space<vmem>> -> memref<128x128xf32, #tpu.memory_space<vmem>>
    %dma_wait3A_135 = arith.constant 0 : i32
    %dma_wait3A_136 = arith.constant 0 : i32
    %dma_wait3A_137 = tpu.memref_slice %arg3[%dma_wait3A_135, %dma_wait3A_136] : memref<2600000x128xf32, #tpu.memory_space<hbm>> -> memref<128x128xf32, #tpu.memory_space<hbm>>
    %dma_wait3A_138 = arith.constant 512 : i32
    %dma_wait3A_139 = arith.constant 0 : i32
    %dma_wait3A_140 = tpu.memref_slice %arg6[%dma_wait3A_138, %dma_wait3A_139] : memref<768x128xf32, #tpu.memory_space<vmem>> -> memref<128x128xf32, #tpu.memory_space<vmem>>
    %dma_wait3A_141 = arith.constant 0 : i32
    %dma_wait3A_142 = arith.constant 0 : i32
    %dma_wait3A_143 = tpu.memref_slice %arg3[%dma_wait3A_141, %dma_wait3A_142] : memref<2600000x128xf32, #tpu.memory_space<hbm>> -> memref<128x128xf32, #tpu.memory_space<hbm>>
    tpu.wait_dma2 semaphore(%arg7 : memref<!tpu.dma_semaphore, #tpu.memory_space<semaphore_mem>>) src(%dma_wait3A_143 : memref<128x128xf32, #tpu.memory_space<hbm>>) dst(%dma_wait3A_140 : memref<128x128xf32, #tpu.memory_space<vmem>>)
    %add3A_144 = arith.constant 12800 : i32
    %add3A_145 = arith.addi %mul3A_2, %add3A_144 : i32
    %dma_start3A_146 = arith.constant 512 : i32
    %dma_start3A_147 = arith.constant 0 : i32
    %dma_start3A_148 = tpu.memref_slice %arg6[%dma_start3A_146, %dma_start3A_147] : memref<768x128xf32, #tpu.memory_space<vmem>> -> memref<128x128xf32, #tpu.memory_space<vmem>>
    %dma_start3A_149 = arith.constant 0 : i32
    %dma_start3A_150 = tpu.memref_slice %arg4[%add3A_145, %dma_start3A_149] : memref<425984x128xf32, #tpu.memory_space<hbm>> -> memref<128x128xf32, #tpu.memory_space<hbm>>
    %dma_start3A_151 = arith.constant 0 : i32
    %dma_start3A_152 = tpu.memref_slice %arg4[%add3A_145, %dma_start3A_151] : memref<425984x128xf32, #tpu.memory_space<hbm>> -> memref<128x128xf32, #tpu.memory_space<hbm>>
    %dma_start3A_153 = arith.constant 512 : i32
    %dma_start3A_154 = arith.constant 0 : i32
    %dma_start3A_155 = tpu.memref_slice %arg6[%dma_start3A_153, %dma_start3A_154] : memref<768x128xf32, #tpu.memory_space<vmem>> -> memref<128x128xf32, #tpu.memory_space<vmem>>
    tpu.enqueue_dma source(%dma_start3A_155 : memref<128x128xf32, #tpu.memory_space<vmem>>) target(%dma_start3A_152 : memref<128x128xf32, #tpu.memory_space<hbm>>) target_semaphore(%arg8 : memref<!tpu.dma_semaphore, #tpu.memory_space<semaphore_mem>>)
    %dma_wait3A_156 = arith.constant 384 : i32
    %dma_wait3A_157 = arith.constant 0 : i32
    %dma_wait3A_158 = tpu.memref_slice %arg6[%dma_wait3A_156, %dma_wait3A_157] : memref<768x128xf32, #tpu.memory_space<vmem>> -> memref<128x128xf32, #tpu.memory_space<vmem>>
    %dma_wait3A_159 = arith.constant 0 : i32
    %dma_wait3A_160 = arith.constant 0 : i32
    %dma_wait3A_161 = tpu.memref_slice %arg3[%dma_wait3A_159, %dma_wait3A_160] : memref<2600000x128xf32, #tpu.memory_space<hbm>> -> memref<128x128xf32, #tpu.memory_space<hbm>>
    %dma_wait3A_162 = arith.constant 384 : i32
    %dma_wait3A_163 = arith.constant 0 : i32
    %dma_wait3A_164 = tpu.memref_slice %arg6[%dma_wait3A_162, %dma_wait3A_163] : memref<768x128xf32, #tpu.memory_space<vmem>> -> memref<128x128xf32, #tpu.memory_space<vmem>>
    %dma_wait3A_165 = arith.constant 0 : i32
    %dma_wait3A_166 = arith.constant 0 : i32
    %dma_wait3A_167 = tpu.memref_slice %arg3[%dma_wait3A_165, %dma_wait3A_166] : memref<2600000x128xf32, #tpu.memory_space<hbm>> -> memref<128x128xf32, #tpu.memory_space<hbm>>
    tpu.wait_dma2 semaphore(%arg8 : memref<!tpu.dma_semaphore, #tpu.memory_space<semaphore_mem>>) src(%dma_wait3A_167 : memref<128x128xf32, #tpu.memory_space<hbm>>) dst(%dma_wait3A_164 : memref<128x128xf32, #tpu.memory_space<vmem>>)
    %dma_wait3A_168 = arith.constant 640 : i32
    %dma_wait3A_169 = arith.constant 0 : i32
    %dma_wait3A_170 = tpu.memref_slice %arg6[%dma_wait3A_168, %dma_wait3A_169] : memref<768x128xf32, #tpu.memory_space<vmem>> -> memref<128x128xf32, #tpu.memory_space<vmem>>
    %dma_wait3A_171 = arith.constant 0 : i32
    %dma_wait3A_172 = arith.constant 0 : i32
    %dma_wait3A_173 = tpu.memref_slice %arg3[%dma_wait3A_171, %dma_wait3A_172] : memref<2600000x128xf32, #tpu.memory_space<hbm>> -> memref<128x128xf32, #tpu.memory_space<hbm>>
    %dma_wait3A_174 = arith.constant 640 : i32
    %dma_wait3A_175 = arith.constant 0 : i32
    %dma_wait3A_176 = tpu.memref_slice %arg6[%dma_wait3A_174, %dma_wait3A_175] : memref<768x128xf32, #tpu.memory_space<vmem>> -> memref<128x128xf32, #tpu.memory_space<vmem>>
    %dma_wait3A_177 = arith.constant 0 : i32
    %dma_wait3A_178 = arith.constant 0 : i32
    %dma_wait3A_179 = tpu.memref_slice %arg3[%dma_wait3A_177, %dma_wait3A_178] : memref<2600000x128xf32, #tpu.memory_space<hbm>> -> memref<128x128xf32, #tpu.memory_space<hbm>>
    tpu.wait_dma2 semaphore(%arg7 : memref<!tpu.dma_semaphore, #tpu.memory_space<semaphore_mem>>) src(%dma_wait3A_179 : memref<128x128xf32, #tpu.memory_space<hbm>>) dst(%dma_wait3A_176 : memref<128x128xf32, #tpu.memory_space<vmem>>)
    %add3A_180 = arith.constant 12928 : i32
    %add3A_181 = arith.addi %mul3A_2, %add3A_180 : i32
    %dma_start3A_182 = arith.constant 640 : i32
    %dma_start3A_183 = arith.constant 0 : i32
    %dma_start3A_184 = tpu.memref_slice %arg6[%dma_start3A_182, %dma_start3A_183] : memref<768x128xf32, #tpu.memory_space<vmem>> -> memref<128x128xf32, #tpu.memory_space<vmem>>
    %dma_start3A_185 = arith.constant 0 : i32
    %dma_start3A_186 = tpu.memref_slice %arg4[%add3A_181, %dma_start3A_185] : memref<425984x128xf32, #tpu.memory_space<hbm>> -> memref<128x128xf32, #tpu.memory_space<hbm>>
    %dma_start3A_187 = arith.constant 0 : i32
    %dma_start3A_188 = tpu.memref_slice %arg4[%add3A_181, %dma_start3A_187] : memref<425984x128xf32, #tpu.memory_space<hbm>> -> memref<128x128xf32, #tpu.memory_space<hbm>>
    %dma_start3A_189 = arith.constant 640 : i32
    %dma_start3A_190 = arith.constant 0 : i32
    %dma_start3A_191 = tpu.memref_slice %arg6[%dma_start3A_189, %dma_start3A_190] : memref<768x128xf32, #tpu.memory_space<vmem>> -> memref<128x128xf32, #tpu.memory_space<vmem>>
    tpu.enqueue_dma source(%dma_start3A_191 : memref<128x128xf32, #tpu.memory_space<vmem>>) target(%dma_start3A_188 : memref<128x128xf32, #tpu.memory_space<hbm>>) target_semaphore(%arg8 : memref<!tpu.dma_semaphore, #tpu.memory_space<semaphore_mem>>)
    %dma_wait3A_192 = arith.constant 512 : i32
    %dma_wait3A_193 = arith.constant 0 : i32
    %dma_wait3A_194 = tpu.memref_slice %arg6[%dma_wait3A_192, %dma_wait3A_193] : memref<768x128xf32, #tpu.memory_space<vmem>> -> memref<128x128xf32, #tpu.memory_space<vmem>>
    %dma_wait3A_195 = arith.constant 0 : i32
    %dma_wait3A_196 = arith.constant 0 : i32
    %dma_wait3A_197 = tpu.memref_slice %arg3[%dma_wait3A_195, %dma_wait3A_196] : memref<2600000x128xf32, #tpu.memory_space<hbm>> -> memref<128x128xf32, #tpu.memory_space<hbm>>
    %dma_wait3A_198 = arith.constant 512 : i32
    %dma_wait3A_199 = arith.constant 0 : i32
    %dma_wait3A_200 = tpu.memref_slice %arg6[%dma_wait3A_198, %dma_wait3A_199] : memref<768x128xf32, #tpu.memory_space<vmem>> -> memref<128x128xf32, #tpu.memory_space<vmem>>
    %dma_wait3A_201 = arith.constant 0 : i32
    %dma_wait3A_202 = arith.constant 0 : i32
    %dma_wait3A_203 = tpu.memref_slice %arg3[%dma_wait3A_201, %dma_wait3A_202] : memref<2600000x128xf32, #tpu.memory_space<hbm>> -> memref<128x128xf32, #tpu.memory_space<hbm>>
    tpu.wait_dma2 semaphore(%arg8 : memref<!tpu.dma_semaphore, #tpu.memory_space<semaphore_mem>>) src(%dma_wait3A_203 : memref<128x128xf32, #tpu.memory_space<hbm>>) dst(%dma_wait3A_200 : memref<128x128xf32, #tpu.memory_space<vmem>>)
    %dma_wait3A_204 = arith.constant 0 : i32
    %dma_wait3A_205 = arith.constant 0 : i32
    %dma_wait3A_206 = tpu.memref_slice %arg6[%dma_wait3A_204, %dma_wait3A_205] : memref<768x128xf32, #tpu.memory_space<vmem>> -> memref<128x128xf32, #tpu.memory_space<vmem>>
    %dma_wait3A_207 = arith.constant 0 : i32
    %dma_wait3A_208 = arith.constant 0 : i32
    %dma_wait3A_209 = tpu.memref_slice %arg3[%dma_wait3A_207, %dma_wait3A_208] : memref<2600000x128xf32, #tpu.memory_space<hbm>> -> memref<128x128xf32, #tpu.memory_space<hbm>>
    %dma_wait3A_210 = arith.constant 0 : i32
    %dma_wait3A_211 = arith.constant 0 : i32
    %dma_wait3A_212 = tpu.memref_slice %arg6[%dma_wait3A_210, %dma_wait3A_211] : memref<768x128xf32, #tpu.memory_space<vmem>> -> memref<128x128xf32, #tpu.memory_space<vmem>>
    %dma_wait3A_213 = arith.constant 0 : i32
    %dma_wait3A_214 = arith.constant 0 : i32
    %dma_wait3A_215 = tpu.memref_slice %arg3[%dma_wait3A_213, %dma_wait3A_214] : memref<2600000x128xf32, #tpu.memory_space<hbm>> -> memref<128x128xf32, #tpu.memory_space<hbm>>
    tpu.wait_dma2 semaphore(%arg7 : memref<!tpu.dma_semaphore, #tpu.memory_space<semaphore_mem>>) src(%dma_wait3A_215 : memref<128x128xf32, #tpu.memory_space<hbm>>) dst(%dma_wait3A_212 : memref<128x128xf32, #tpu.memory_space<vmem>>)
    %add3A_216 = arith.constant 13056 : i32
    %add3A_217 = arith.addi %mul3A_2, %add3A_216 : i32
    %dma_start3A_218 = arith.constant 0 : i32
    %dma_start3A_219 = arith.constant 0 : i32
    %dma_start3A_220 = tpu.memref_slice %arg6[%dma_start3A_218, %dma_start3A_219] : memref<768x128xf32, #tpu.memory_space<vmem>> -> memref<128x128xf32, #tpu.memory_space<vmem>>
    %dma_start3A_221 = arith.constant 0 : i32
    %dma_start3A_222 = tpu.memref_slice %arg4[%add3A_217, %dma_start3A_221] : memref<425984x128xf32, #tpu.memory_space<hbm>> -> memref<128x128xf32, #tpu.memory_space<hbm>>
    %dma_start3A_223 = arith.constant 0 : i32
    %dma_start3A_224 = tpu.memref_slice %arg4[%add3A_217, %dma_start3A_223] : memref<425984x128xf32, #tpu.memory_space<hbm>> -> memref<128x128xf32, #tpu.memory_space<hbm>>
    %dma_start3A_225 = arith.constant 0 : i32
    %dma_start3A_226 = arith.constant 0 : i32
    %dma_start3A_227 = tpu.memref_slice %arg6[%dma_start3A_225, %dma_start3A_226] : memref<768x128xf32, #tpu.memory_space<vmem>> -> memref<128x128xf32, #tpu.memory_space<vmem>>
    tpu.enqueue_dma source(%dma_start3A_227 : memref<128x128xf32, #tpu.memory_space<vmem>>) target(%dma_start3A_224 : memref<128x128xf32, #tpu.memory_space<hbm>>) target_semaphore(%arg8 : memref<!tpu.dma_semaphore, #tpu.memory_space<semaphore_mem>>)
    %dma_wait3A_228 = arith.constant 640 : i32
    %dma_wait3A_229 = arith.constant 0 : i32
    %dma_wait3A_230 = tpu.memref_slice %arg6[%dma_wait3A_228, %dma_wait3A_229] : memref<768x128xf32, #tpu.memory_space<vmem>> -> memref<128x128xf32, #tpu.memory_space<vmem>>
    %dma_wait3A_231 = arith.constant 0 : i32
    %dma_wait3A_232 = arith.constant 0 : i32
    %dma_wait3A_233 = tpu.memref_slice %arg3[%dma_wait3A_231, %dma_wait3A_232] : memref<2600000x128xf32, #tpu.memory_space<hbm>> -> memref<128x128xf32, #tpu.memory_space<hbm>>
    %dma_wait3A_234 = arith.constant 640 : i32
    %dma_wait3A_235 = arith.constant 0 : i32
    %dma_wait3A_236 = tpu.memref_slice %arg6[%dma_wait3A_234, %dma_wait3A_235] : memref<768x128xf32, #tpu.memory_space<vmem>> -> memref<128x128xf32, #tpu.memory_space<vmem>>
    %dma_wait3A_237 = arith.constant 0 : i32
    %dma_wait3A_238 = arith.constant 0 : i32
    %dma_wait3A_239 = tpu.memref_slice %arg3[%dma_wait3A_237, %dma_wait3A_238] : memref<2600000x128xf32, #tpu.memory_space<hbm>> -> memref<128x128xf32, #tpu.memory_space<hbm>>
    tpu.wait_dma2 semaphore(%arg8 : memref<!tpu.dma_semaphore, #tpu.memory_space<semaphore_mem>>) src(%dma_wait3A_239 : memref<128x128xf32, #tpu.memory_space<hbm>>) dst(%dma_wait3A_236 : memref<128x128xf32, #tpu.memory_space<vmem>>)
    %dma_wait3A_240 = arith.constant 128 : i32
    %dma_wait3A_241 = arith.constant 0 : i32
    %dma_wait3A_242 = tpu.memref_slice %arg6[%dma_wait3A_240, %dma_wait3A_241] : memref<768x128xf32, #tpu.memory_space<vmem>> -> memref<128x128xf32, #tpu.memory_space<vmem>>
    %dma_wait3A_243 = arith.constant 0 : i32
    %dma_wait3A_244 = arith.constant 0 : i32
    %dma_wait3A_245 = tpu.memref_slice %arg3[%dma_wait3A_243, %dma_wait3A_244] : memref<2600000x128xf32, #tpu.memory_space<hbm>> -> memref<128x128xf32, #tpu.memory_space<hbm>>
    %dma_wait3A_246 = arith.constant 128 : i32
    %dma_wait3A_247 = arith.constant 0 : i32
    %dma_wait3A_248 = tpu.memref_slice %arg6[%dma_wait3A_246, %dma_wait3A_247] : memref<768x128xf32, #tpu.memory_space<vmem>> -> memref<128x128xf32, #tpu.memory_space<vmem>>
    %dma_wait3A_249 = arith.constant 0 : i32
    %dma_wait3A_250 = arith.constant 0 : i32
    %dma_wait3A_251 = tpu.memref_slice %arg3[%dma_wait3A_249, %dma_wait3A_250] : memref<2600000x128xf32, #tpu.memory_space<hbm>> -> memref<128x128xf32, #tpu.memory_space<hbm>>
    tpu.wait_dma2 semaphore(%arg7 : memref<!tpu.dma_semaphore, #tpu.memory_space<semaphore_mem>>) src(%dma_wait3A_251 : memref<128x128xf32, #tpu.memory_space<hbm>>) dst(%dma_wait3A_248 : memref<128x128xf32, #tpu.memory_space<vmem>>)
    %add3A_252 = arith.constant 13184 : i32
    %add3A_253 = arith.addi %mul3A_2, %add3A_252 : i32
    %dma_start3A_254 = arith.constant 128 : i32
    %dma_start3A_255 = arith.constant 0 : i32
    %dma_start3A_256 = tpu.memref_slice %arg6[%dma_start3A_254, %dma_start3A_255] : memref<768x128xf32, #tpu.memory_space<vmem>> -> memref<128x128xf32, #tpu.memory_space<vmem>>
    %dma_start3A_257 = arith.constant 0 : i32
    %dma_start3A_258 = tpu.memref_slice %arg4[%add3A_253, %dma_start3A_257] : memref<425984x128xf32, #tpu.memory_space<hbm>> -> memref<128x128xf32, #tpu.memory_space<hbm>>
    %dma_start3A_259 = arith.constant 0 : i32
    %dma_start3A_260 = tpu.memref_slice %arg4[%add3A_253, %dma_start3A_259] : memref<425984x128xf32, #tpu.memory_space<hbm>> -> memref<128x128xf32, #tpu.memory_space<hbm>>
    %dma_start3A_261 = arith.constant 128 : i32
    %dma_start3A_262 = arith.constant 0 : i32
    %dma_start3A_263 = tpu.memref_slice %arg6[%dma_start3A_261, %dma_start3A_262] : memref<768x128xf32, #tpu.memory_space<vmem>> -> memref<128x128xf32, #tpu.memory_space<vmem>>
    tpu.enqueue_dma source(%dma_start3A_263 : memref<128x128xf32, #tpu.memory_space<vmem>>) target(%dma_start3A_260 : memref<128x128xf32, #tpu.memory_space<hbm>>) target_semaphore(%arg8 : memref<!tpu.dma_semaphore, #tpu.memory_space<semaphore_mem>>)
    %dma_wait3A_264 = arith.constant 0 : i32
    %dma_wait3A_265 = arith.constant 0 : i32
    %dma_wait3A_266 = tpu.memref_slice %arg6[%dma_wait3A_264, %dma_wait3A_265] : memref<768x128xf32, #tpu.memory_space<vmem>> -> memref<128x128xf32, #tpu.memory_space<vmem>>
    %dma_wait3A_267 = arith.constant 0 : i32
    %dma_wait3A_268 = arith.constant 0 : i32
    %dma_wait3A_269 = tpu.memref_slice %arg3[%dma_wait3A_267, %dma_wait3A_268] : memref<2600000x128xf32, #tpu.memory_space<hbm>> -> memref<128x128xf32, #tpu.memory_space<hbm>>
    %dma_wait3A_270 = arith.constant 0 : i32
    %dma_wait3A_271 = arith.constant 0 : i32
    %dma_wait3A_272 = tpu.memref_slice %arg6[%dma_wait3A_270, %dma_wait3A_271] : memref<768x128xf32, #tpu.memory_space<vmem>> -> memref<128x128xf32, #tpu.memory_space<vmem>>
    %dma_wait3A_273 = arith.constant 0 : i32
    %dma_wait3A_274 = arith.constant 0 : i32
    %dma_wait3A_275 = tpu.memref_slice %arg3[%dma_wait3A_273, %dma_wait3A_274] : memref<2600000x128xf32, #tpu.memory_space<hbm>> -> memref<128x128xf32, #tpu.memory_space<hbm>>
    tpu.wait_dma2 semaphore(%arg8 : memref<!tpu.dma_semaphore, #tpu.memory_space<semaphore_mem>>) src(%dma_wait3A_275 : memref<128x128xf32, #tpu.memory_space<hbm>>) dst(%dma_wait3A_272 : memref<128x128xf32, #tpu.memory_space<vmem>>)
    %dma_wait3A_276 = arith.constant 128 : i32
    %dma_wait3A_277 = arith.constant 0 : i32
    %dma_wait3A_278 = tpu.memref_slice %arg6[%dma_wait3A_276, %dma_wait3A_277] : memref<768x128xf32, #tpu.memory_space<vmem>> -> memref<128x128xf32, #tpu.memory_space<vmem>>
    %dma_wait3A_279 = arith.constant 0 : i32
    %dma_wait3A_280 = arith.constant 0 : i32
    %dma_wait3A_281 = tpu.memref_slice %arg3[%dma_wait3A_279, %dma_wait3A_280] : memref<2600000x128xf32, #tpu.memory_space<hbm>> -> memref<128x128xf32, #tpu.memory_space<hbm>>
    %dma_wait3A_282 = arith.constant 128 : i32
    %dma_wait3A_283 = arith.constant 0 : i32
    %dma_wait3A_284 = tpu.memref_slice %arg6[%dma_wait3A_282, %dma_wait3A_283] : memref<768x128xf32, #tpu.memory_space<vmem>> -> memref<128x128xf32, #tpu.memory_space<vmem>>
    %dma_wait3A_285 = arith.constant 0 : i32
    %dma_wait3A_286 = arith.constant 0 : i32
    %dma_wait3A_287 = tpu.memref_slice %arg3[%dma_wait3A_285, %dma_wait3A_286] : memref<2600000x128xf32, #tpu.memory_space<hbm>> -> memref<128x128xf32, #tpu.memory_space<hbm>>
    tpu.wait_dma2 semaphore(%arg8 : memref<!tpu.dma_semaphore, #tpu.memory_space<semaphore_mem>>) src(%dma_wait3A_287 : memref<128x128xf32, #tpu.memory_space<hbm>>) dst(%dma_wait3A_284 : memref<128x128xf32, #tpu.memory_space<vmem>>)
    return
  }
}

</mosaic_0001>

<sc_bundles>
// kernel: kernel.3.cloned.1.call-start
scs
__scs_entry_jumppad:
0x0: {  	(pc) =	sbr.rel $0x88, $3  }
0x1: {  	(tag) =	ssettag $0x0;
	lr =	simm.s32 $0x1  }
0x2: {  	[smem:$0x3F9F] =	sst lr;
	_ =	strace $0xD0000000  }
0x3: {  	_ = 	snop  }
0x4: {  	_ = 	snop  }
0x5: {  	_ = 	snop  }
0x6: {  	_ = 	snop  }
0x7: {  	_ = 	snop  }
__scs_overlays_trampoline_lowered:
0x8: {  	[smem:$0x3FAE] =	sst s0  }
0x9: {  	[smem:$0x3FAF] =	sst s1  }
0xa: {  	[smem:$0x3FB0] =	sst s2  }
0xb: {  	[smem:$0x3FB1] =	sst s3  }
0xc: {  	[smem:$0x3FB2] =	sst s4  }
0xd: {  	[smem:$0x3FB3] =	sst s5  }
0xe: {  	[smem:$0x3FB4] =	sst s6  }
0xf: {  	[smem:$0x3FB5] =	sst s7  }
0x10: {  	[smem:$0x3FB6] =	sst s8  }
0x11: {  	[smem:$0x3FB7] =	sst s9;
	s0 =	simm.s32 @!p0 $0x0  }
0x12: {  	s1 =	sld [smem:$0x3F9D];
	s0 =	simm.s32 @p0 $0x1  }
0x13: {  	[smem:$0x3FB8] =	sst s0;
	s0 =	simm.s32 @!p1 $0x0  }
0x14: {  	s2 =	sld [smem:$0x3F9C];
	s0 =	simm.s32 @p1 $0x1  }
0x15: {  	[smem:$0x3FB9] =	sst s0;
	s0 =	simm.s32 @!p2 $0x0  }
0x16: {  	s3 =	sld [smem:$0x3FDB];
	s0 =	simm.s32 @p2 $0x1  }
0x17: {  	s4 =	simm.s32 $0x1BF5;
	[smem:$0x3FBB] =	sst s0  }
0x18: {  	s0 =	sld [smem:$0x3F9E];
	_ =	swait.ge [sflag:s4], $0x0  }
0x19: {  	s7 =	sld [smem:$0x3F9F]  }
0x1a: {  	s8 =	sadd.s32 $0xFFFFE003, lr  }
0x1b: {  	s9 =	sadd.s32 $0xFFFFFEF7, lr;
	s5 =	simm.s32 $0xFFFFFFFF;
	p2 =	slt.u32 s8, $0xFFFFF086  }
0x1c: {  	p1 =	slt.u32 s9, $0xF7A;
	s5 =	simm.s32 @!p2 $0x0  }
0x1d: {  	s5 =	simm.s32 @p1 $0x1;
	p0 =	seq.s32 s7, s2  }
0x1e: {  	s7 =	smul.u32 @!p0 $0xF7A, s2;
	p2 =	seq.s32 @!p0 s5, $0x0  }
0x1f: {  	s9 =	smul.u32 $0xF7A, s1;
	s8 =	simm.s32 @!p0 $0x1BF5;
	p2 =	por !p2, p0  }
0x20: {  	[sflag:s8] =	ssyncset.s32 @!p0 $0xFFFFF086;
	s6 =	sadd.s32 @!p0 s3, s7;
	s7 =	simm.s32 @!p0 $0x108  }
0x21: {  	s3 =	sadd.s32 s3, s9;
	s6 =	sadd.s32 @!p0 $0x88, s6;
	s7 =	simm.s32 @p2 $0x1082  }
0x22: {  	[simem:s7], [sflag:s8] =	dma.local @!p0 [hbm:s6], $0xF7A  }
0x23: {  	s9 =	sor.u32 $0xD0000000, s2;
	s6 =	simm.s32 $0x108;
	_ =	swait.ge @!p0 [sflag:s8], $0x0  }
0x24: {  	s3 =	sadd.s32 $0x88, s3;
	s6 =	simm.s32 @!p1 $0x1082;
	[sflag:s4] =	ssyncset.s32 $0xFFFFF086  }
0x25: {  	[simem:s6], [sflag:s4] =	dma.local [hbm:s3], $0xF7A  }
0x26: {  	[smem:$0x3F9F] =	sst s1;
	(tag) =	ssettag s2;
	_ =	strace s9  }
0x27: {  	s1 =	sld [smem:$0x3FAF]  }
0x28: {  	s2 =	sld [smem:$0x3FB0]  }
0x29: {  	s4 =	sld [smem:$0x3FB2]  }
0x2a: {  	p0 =	seq.s32 s5, $0x0;
	s5 =	sld [smem:$0x3FB3]  }
0x2b: {  	s6 =	sld [smem:$0x3FB4]  }
0x2c: {  	s7 =	sld [smem:$0x3FB5]  }
0x2d: {  	s3 =	simm.s32 $0x108;
	s8 =	sld [smem:$0x3FB6]  }
0x2e: {  	s3 =	simm.s32 @!p0 $0x1082;
	s9 =	sld [smem:$0x3FB7]  }
0x2f: {  	lr =	sadd.s32 s0, s3;
	s0 =	sld [smem:$0x3FAE]  }
0x30: {  	s3 =	sld [smem:$0x3FB1]  }
0x31: {  	[smem:$0x3FBA] =	sst s10  }
0x32: {  	s10 =	sld [smem:$0x3FB8];
	_ =	sdelay $0x3  }
0x33: {  	p0 =	seq.s32 s10, $0x1;
	s10 =	sld [smem:$0x3FBA];
	_ =	sdelay $0x3  }
0x34: {  	[smem:$0x3FBA] =	sst s10  }
0x35: {  	s10 =	sld [smem:$0x3FB9];
	_ =	sdelay $0x3  }
0x36: {  	p1 =	seq.s32 s10, $0x1;
	s10 =	sld [smem:$0x3FBA];
	_ =	sdelay $0x3  }
0x37: {  	[smem:$0x3FBA] =	sst s10  }
0x38: {  	s10 =	sld [smem:$0x3FBB]  }
0x39: {  	_ = 	snop;
	(pc) =	sbr.ind lr, $3  }
0x3a: {  	_ = 	snop  }
0x3b: {  	_ = 	snop  }
0x3c: {  	p2 =	seq.s32 s10, $0x1;
	s10 =	sld [smem:$0x3FBA]  }
0x3d: {  	_ =	shalt  }
0x3e: {  	_ =	shalt  }
0x3f: {  	_ =	shalt  }
0x40: {  	_ =	shalt  }
0x41: {  	_ =	shalt  }
0x42: {  	_ =	shalt  }
0x43: {  	_ =	shalt  }
0x44: {  	_ =	shalt  }
0x45: {  	_ =	shalt  }
0x46: {  	_ =	shalt  }
0x47: {  	_ =	shalt  }
0x48: {  	_ =	shalt  }
0x49: {  	_ =	shalt  }
0x4a: {  	_ =	shalt  }
0x4b: {  	_ =	shalt  }
0x4c: {  	_ =	shalt  }
0x4d: {  	_ =	shalt  }
0x4e: {  	_ =	shalt  }
0x4f: {  	_ =	shalt  }
0x50: {  	_ =	shalt  }
0x51: {  	_ =	shalt  }
0x52: {  	_ =	shalt  }
0x53: {  	_ =	shalt  }
0x54: {  	_ =	shalt  }
0x55: {  	_ =	shalt  }
0x56: {  	_ =	shalt  }
0x57: {  	_ =	shalt  }
0x58: {  	_ =	shalt  }
0x59: {  	_ =	shalt  }
0x5a: {  	_ =	shalt  }
0x5b: {  	_ =	shalt  }
0x5c: {  	_ =	shalt  }
0x5d: {  	_ =	shalt  }
0x5e: {  	_ =	shalt  }
0x5f: {  	_ =	shalt  }
0x60: {  	_ =	shalt  }
0x61: {  	_ =	shalt  }
0x62: {  	_ =	shalt  }
0x63: {  	_ =	shalt  }
0x64: {  	_ =	shalt  }
0x65: {  	_ =	shalt  }
0x66: {  	_ =	shalt  }
0x67: {  	_ =	shalt  }
0x68: {  	_ =	shalt  }
0x69: {  	_ =	shalt  }
0x6a: {  	_ =	shalt  }
0x6b: {  	_ =	shalt  }
0x6c: {  	_ =	shalt  }
0x6d: {  	_ =	shalt  }
0x6e: {  	_ =	shalt  }
0x6f: {  	_ =	shalt  }
0x70: {  	_ =	shalt  }
0x71: {  	_ =	shalt  }
0x72: {  	_ =	shalt  }
0x73: {  	_ =	shalt  }
0x74: {  	_ =	shalt  }
0x75: {  	_ =	shalt  }
0x76: {  	_ =	shalt  }
0x77: {  	_ =	shalt  }
0x78: {  	_ =	shalt  }
0x79: {  	_ =	shalt  }
0x7a: {  	_ =	shalt  }
0x7b: {  	_ =	shalt  }
0x7c: {  	_ =	shalt  }
0x7d: {  	_ =	shalt  }
0x7e: {  	_ =	shalt  }
0x7f: {  	_ =	shalt  }
0x80: {  	_ =	shalt  }
0x81: {  	_ =	shalt  }
0x82: {  	_ =	shalt  }
0x83: {  	_ =	shalt  }
0x84: {  	_ =	shalt  }
0x85: {  	_ =	shalt  }
0x86: {  	_ =	shalt  }
0x87: {  	_ =	shalt  }
.Lfunc_end0:
.L_simem_size_0:
called_computation.2_lowered:
.L_overlay_start_0:
0x88: {  	s2 =	sld [smem:$0x3FD9]  }
0x89: {  	s3 =	sld [smem:$0x3FFE];
	_ =	sdelay $0x1  }
0x8a: {  	s1 =	srdreg.scid  }
0x8b: {  	s0 =	sand.u32 $0x1, s1  }
0x8c: {  	s17 =	sshll.u32 s0, $0xA;
	s2 =	sadd.s32 s3, s2  }
0x8d: {  	s2 =	sadd.s32 s2, s17  }
0x8e: {  	[smem:$0x3FC6] =	sst s2  }
0x8f: {  	_ = 	snop  }
0x90: {  	s2 =	sld [smem:$0x3FD0];
	(tm) =	ssettm $0x1  }
0x91: {  	s18 =	sld [smem:$0x3FFB];
	_ =	sdelay $0x3  }
0x92: {  	_ =	strace s18  }
0x93: {  	s3 =	sld [smem:$0x3FFC];
	_ =	sdelay $0x3  }
0x94: {  	_ =	strace s3  }
0x95: {  	s3 =	sld [smem:$0x3FFD];
	_ =	sdelay $0x3  }
0x96: {  	_ =	strace s3  }
0x97: {  	_ =	strace $0x8FFFFFFF  }
0x98: {  	s19 =	sld [smem:$0x3FDB];
	_ =	sdelay $0x1  }
0x99: {  	s4 =	simm.s32 $_scs_section_size  }
0x9a: {  	s5 =	simm.s32 $_size__tile_overlayer_lowered;
	s6 =	simm.s32 $_tile_overlayer_lowered  }
0x9b: {  	s22 =	simm.s32 $0x1BFF;
	s21 =	sshll.u32 s6, $0x1;
	s3 =	sadd.s32 s4, s19  }
0x9c: {  	s7 =	simm.s32 $0x0;
	s20 =	sshll.u32 s5, $0x1;
	s5 =	sadd.s32 s21, s3  }
0x9d: {  	[timem:s7], [sflag:s22] =	dma.local [hbm:s5], s20  }
0x9e: {  	_ =	swait.ge [sflag:s22], s20  }
0x9f: {  	s4 =	ssub.s32 $0x0, s20;
	[sflag:s22] =	ssyncset.done $0x0  }
0xa0: {  	[sflag:s22] =	ssyncadd.s32 s4;
	_ =	sdelay $0x1  }
0xa1: {  	s23 =	simm.s32 $0x1B8B  }
0xa2: {  	_ =	swait.ge [sflag:s23], $0x1  }
0xa3: {  	[sflag:s23] =	ssyncset.done $0x0  }
0xa4: {  	s25 =	simm.s32 $0x1B8E;
	s24 =	sld [smem:$0x3FFE];
	[sflag:s23] =	ssyncadd.s32 $0xFFFFFFFF  }
0xa5: {  	s26 =	simm.s32 $execute0_lowered;
	[smem:$0x3FD2] =	sst s25  }
0xa6: {  	s5 =	sshll.u32 s26, $0x1;
	_ =	strace $0x80000049;
	[dreg:$0x1] =	wrdreg $0xFFFFFFFF  }
0xa7: {  	s28 =	simm.s32 $_size_execute0_lowered;
	s3 =	sadd.s32 s3, s5;
	[dreg:$0x0] =	wrdreg $0x0  }
0xa8: {  	s5 =	sshll.u32 s28, $0x1;
	[dreg:$0x2] =	wrdreg s3  }
0xa9: {  	[dreg:$0x3] =	wrdreg s5  }
0xaa: {  	[dreg:$0x4] =	wrdreg $0xC0  }
0xab: {  	_ =	task [dreg:s7], $0x5FFFF  }
0xac: {  	[dreg:$0x1] =	wrdreg $0xFFFFFFFF  }
0xad: {  	[dreg:$0x0] =	wrdreg $0x60  }
0xae: {  	[dreg:$0x2] =	wrdreg s2  }
0xaf: {  	[dreg:$0x3] =	wrdreg s24  }
0xb0: {  	[dreg:$0x4] =	wrdreg $0x9  }
0xb1: {  	_ =	task.clear_ibuf [dreg:s7], $0x5FFFF;
	_ =	strace $0x90000049  }
0xb2: {  	s29 =	simm.s32 $0x9;
	_ =	strace $0x8000004B  }
0xb3: {  	_ =	swait.ge [sflag:s29], $0x1  }
0xb4: {  	[sflag:s29] =	ssyncadd.s32 $0xFFFFFFFF  }
0xb5: {  	_ =	strace $0x9000004B  }
0xb6: {  	_ =	sfence  }
0xb7: {  	s30 =	sld [smem:$0x0];
	_ =	sdelay $0x2  }
0xb8: {  	s31 =	sshll.u32 s1, $0xD;
	s1 =	sshrl.u32 s1, $0x2  }
0xb9: {  	s3 =	sand.u32 $0x4000, s31;
	s1 =	sadd.s32 s1, s30  }
0xba: {  	s0 =	sor.u32 s3, s0;
	s1 =	sshll.u32 s1, $0x11  }
0xbb: {  	s0 =	sor.u32 s1, s0  }
0xbc: {  	s0 =	sadd.s32 $0x8F2B, s0  }
0xbd: {  	[sflag:s0] =	ssyncadd.remote.s32 $0x1  }
0xbe: {  	_ =	sfence.sel $0xFFFF  }
0xbf: {  	[dreg:$0x0] =	wrdreg $0xFFFFFFFF;
	(pc) =	sbr.abs _section_cstart, $3  }
0xc0: {  	[dreg:$0x1] =	wrdreg $0xFFFFFFFF  }
0xc1: {  	_ =	task.clear_ibuf [dreg:s7], $0x2FFFF;
	_ =	strace $0x9FFFFFFF  }
0xc2: {  	(tm) =	ssettm $0x7FFFFFFF  }
0xc3: {  	_ =	shalt  }
tec
execute0_lowered:
.L_overlay_start_1:
0x0: {  	(tag) =	ssettag $0x1  }
0x1: {  	s0 =	rddreg [dreg:$0x0]  }
0x2: {  	s1 =	rddreg [dreg:$0x1];
	s3 =	srdreg.scid  }
0x3: {  	s12 =	stileid.u32;
	s2 =	simm.s32 $0x0;
	s15 =	simm.s32 $0x80  }
0x4: {  	s16 =	simm.s32 $0x3400;
	s17 =	simm.s32 $0x7400;
	s24 =	smul.u32 $0x340000, s12  }
0x5: {  	s9 =	sand.u32 $0x1, s3;
	s23 =	sshll.u32 s12, $0x1;
	s12 =	smul.u32 $0x6800, s12  }
0x6: {  	s28 =	simm.s32 $0x2;
	s29 =	simm.s32 $0x0;
	s26 =	smul.u32 $0x1A0000, s9  }
0x7: {  	[smem:$0x7FF] =	sst s2;
	s4 =	sor.u32 s9, s23;
	s13 =	smul.u32 $0x3400, s9  }
0x8: {  	s3 =	sadd.s32 $0x27AD200, s1;
	s1 =	sadd.s32 $0xE00, s1;
	s5 =	smul.u32 $0x3400, s4  }
0x9: {  	_ =	strace $0x8000004A;
	s6 =	ssub.s32 $0x2, s9;
	s7 =	smul.u32 $0x34000, s4  }
0xa: {  	s23 =	simm.s32 $0x13400;
	s8 =	sshrl.u32 s6, $0x1;
	s10 =	smul.u32 $0x1A0000, s4  }
0xb: {  	s11 =	ssub.s32 s6, s8;
	s12 =	sadd.s32 s13, s12;
	s5 =	sshrl.u32 s5, $0x3  }
0xc: {  	s4 =	sadd.s32 s1, s7;
	s25 =	sshrl.u32 s10, $0x3;
	s10 =	sadd.s32 s26, s24  }
0xd: {  	s11 =	smax.u32 s11, $0x1;
	s24 =	simm.s32 $0x1;
	s26 =	simm.s32 $0x17400  }
0xe: {  	s5 =	sadd.s32 s0, s5;
	s6 =	sadd.s32 $0x800, s4;
	s30 =	sadd.s32 s1, s25  }
0xf: {  	s14 =	sor.u32 $0x8000, s10;
	s25 =	simm.s32 $0x280;
	s7 =	sadd.s32 $0x32000, s30  }
0x10: {  	s8 =	sadd.s32 $0x32800, s30;
	s9 =	sadd.s32 $0x33000, s30;
	s31 =	sshrl.u32 s14, $0x3  }
0x11: {  	s10 =	sadd.s32 $0x33800, s30;
	s14 =	simm.s32 $0x3;
	s1 =	sadd.s32 s31, s1  }
.LBB2_1:
0x12: {  	[tilespmem:s2], [sflag:$0x3] =	stream.linear.gather [hbm4b:s5+s2], $0x3400, $0x38;
	[tilespmem:$0x1B400] =	vst v63  }
0x13: {  	_ =	swait.ge [sflag:s14], $0x3400  }
0x14: {  	[sflag:s14] =	ssyncset.done $0x0  }
0x15: {  	s30 =	simm.s32 $0x40;
	[sflag:s14] =	ssyncadd.s32 $0xFFFFCC00  }
0x16: {  	v1 =	vld [tilespmem:s30+$0xFFFFFFC0]  }
0x17: {  	s0 =	sadd.s32 $0x0, s12;
	v3 =	vld [tilespmem:s30+$0xFFFFFFD0]  }
0x18: {  	s0 =	sshrl.u32 s0, $0xE;
	v4 =	vld [tilespmem:s30+$0xFFFFFFE0]  }
0x19: {  	s0 =	smul.u32 $0x186A0, s0;
	v2 =	vld [tilespmem:s30+$0x0]  }
0x1a: {  	v0 =	vld [tilespmem:s30+$0x10]  }
0x1b: {  	v5 =	vadd.s32 s0, v1;
	v1 =	vld [tilespmem:s30+$0x20]  }
0x1c: {  	s13 =	simm.s32 $0x80;
	s31 =	simm.s32 $0x40;
	[tilespmem:s30+$0xFFFFFFC0] =	vst v5;
	v5 =	vadd.s32 s0, v3;
	v3 =	vld [tilespmem:s30+$0x30]  }
.LBB2_2:
0x1d: {  	p0 =	sne.s32 s13, $0x3380;
	[tilespmem:s30+$0xFFFFFFD0] =	vst v5;
	v4 =	vadd.s32 s0, v4;
	v5 =	vld [tilespmem:s30+$0xFFFFFFF0];
	s31 =	sadd.s32 $0x80, s31  }
0x1e: {  	v6 =	vld [tilespmem:s31+$0xFFFFFFC0];
	[tilespmem:s30+$0xFFFFFFE0] =	vst v4;
	v2 =	vadd.s32 s0, v2  }
0x1f: {  	s18 =	sadd.s32 s13, s12;
	v7 =	vld [tilespmem:s31+$0xFFFFFFD0];
	[tilespmem:s30+$0x0] =	vst v2;
	v0 =	vadd.s32 s0, v0  }
.Ltmp0:
0x20: {  	s18 =	sshrl.u32 s18, $0xE;
	v4 =	vld [tilespmem:s31+$0xFFFFFFE0];
	[tilespmem:s30+$0x10] =	vst v0;
	v0 =	vadd.s32 s0, v1;
	(pc) =	sbr.rel @p0 .LBB2_2-.Ltmp0, $4  }
0x21: {  	s18 =	smul.u32 $0x186A0, s18;
	v2 =	vld [tilespmem:s31+$0x0];
	[tilespmem:s30+$0x20] =	vst v0;
	v1 =	vadd.s32 s0, v3  }
0x22: {  	v0 =	vld [tilespmem:s31+$0x10];
	v3 =	vadd.s32 s0, v5;
	[tilespmem:s30+$0x30] =	vst v1  }
0x23: {  	s0 =	smov.u32 s18;
	v5 =	vadd.s32 s18, v6;
	v1 =	vld [tilespmem:s31+$0x20];
	[tilespmem:s30+$0xFFFFFFF0] =	vst v3;
	s30 =	smov.u32 s31  }
0x24: {  	s13 =	sadd.s32 $0x80, s13;
	[tilespmem:s31+$0xFFFFFFC0] =	vst v5;
	v5 =	vadd.s32 s0, v7;
	v3 =	vld [tilespmem:s31+$0x30]  }
0x25: {  	[tilespmem:s30+$0xFFFFFFD0] =	vst v5;
	v4 =	vadd.s32 s0, v4;
	v60 =	vld [tilespmem:s30+$0xFFFFFFF0]  }
0x26: {  	[tilespmem:s30+$0xFFFFFFE0] =	vst v4;
	v2 =	vadd.s32 s0, v2  }
0x27: {  	[tilespmem:s30+$0x0] =	vst v2;
	v0 =	vadd.s32 s0, v0  }
0x28: {  	[tilespmem:s30+$0x10] =	vst v0;
	v61 =	vadd.s32 s0, v1  }
0x29: {  	[tilespmem:s30+$0x20] =	vst v61;
	v62 =	vadd.s32 s0, v3  }
0x2a: {  	v63 =	vadd.s32 s0, v60;
	[tilespmem:s30+$0x30] =	vst v62  }
0x2b: {  	[tilespmem:s30+$0xFFFFFFF0] =	vst v63  }
0x2c: {  	[tilespmem:s16], [sflag:$0x1] =	stream.indirect.gather [hbm4b:s3+s15], $0x80, s2, s15, $0xb8;
	[tilespmem:$0x1B400] =	vst v63  }
0x2d: {  	_ = 	snop  }
0x2e: {  	[tilespmem:s17], [sflag:$0x1] =	stream.indirect.gather [hbm4b:s3+s15], $0x80, s15, s15, $0xb8;
	[tilespmem:$0x1B400] =	vst v63  }
0x2f: {  	s22 =	simm.s32 $0x100;
	s13 =	simm.s32 $0xB400  }
0x30: {  	[tilespmem:s13], [sflag:$0x1] =	stream.indirect.gather [hbm4b:s3+s15], $0x80, s22, s15, $0xb8;
	[tilespmem:$0x1B400] =	vst v63  }
0x31: {  	s18 =	simm.s32 $0xF400;
	s13 =	simm.s32 $0x180  }
0x32: {  	[tilespmem:s18], [sflag:$0x1] =	stream.indirect.gather [hbm4b:s3+s15], $0x80, s13, s15, $0xb8;
	[tilespmem:$0x1B400] =	vst v63  }
0x33: {  	s19 =	simm.s32 $0x200;
	s20 =	simm.s32 $0x6  }
0x34: {  	[tilespmem:s23], [sflag:$0x1] =	stream.indirect.gather [hbm4b:s3+s15], $0x80, s19, s15, $0xb8;
	[tilespmem:$0x1B400] =	vst v63  }
0x35: {  	s0 =	smul.u32 $0xAB, s20;
	_ =	swait.ge [sflag:s24], $0x4000  }
0x36: {  	[sflag:s24] =	ssyncset.done $0x0  }
0x37: {  	s21 =	sshrl.u32 s0, $0xA;
	s0 =	sadd.s32 $0xFFFFFD54, s0;
	[sflag:s24] =	ssyncadd.s32 $0xFFFFC000  }
0x38: {  	[hbm4b:s4+s2] =	stream.linear.scatter [tilespmem:s16], [sflag:$0x2], $0x4000, $0x38;
	[tilespmem:$0x1B400] =	vst v63  }
0x39: {  	s31 =	simm.s32 $0x380;
	s0 =	sshrl.u32 s0, $0xA;
	s13 =	sand.u32 $0x3F, s21  }
0x3a: {  	[tilespmem:s26], [sflag:$0x1] =	stream.indirect.gather [hbm4b:s3+s15], $0x80, s25, s15, $0xb8;
	[tilespmem:$0x1B400] =	vst v63  }
0x3b: {  	s0 =	sand.u32 $0x3F, s0;
	s13 =	smul.u32 $0x6, s13;
	_ =	swait.ge [sflag:s24], $0x4000  }
0x3c: {  	s30 =	sadd.s32 $0x800, s1;
	s18 =	smul.u32 $0x6, s0;
	[sflag:s24] =	ssyncset.done $0x0  }
0x3d: {  	s19 =	simm.s32 $0x300;
	s13 =	ssub.s32 $0x6, s13;
	[sflag:s24] =	ssyncadd.s32 $0xFFFFC000  }
0x3e: {  	[hbm4b:s6+s2] =	stream.linear.scatter [tilespmem:s17], [sflag:$0x2], $0x4000, $0x38;
	[tilespmem:$0x1B400] =	vst v63  }
0x3f: {  	s18 =	ssub.s32 $0x6, s18;
	s13 =	sand.u32 $0xFF, s13;
	_ =	swait.ge [sflag:s28], $0x4000  }
0x40: {  	s18 =	sadd.s32 $0xFFFFFFFC, s18;
	s13 =	sshll.u32 s13, $0xE;
	[sflag:s28] =	ssyncset.done $0x0  }
0x41: {  	s20 =	sand.u32 $0xFF, s18;
	s13 =	sor.u32 $0x3400, s13;
	[sflag:s28] =	ssyncadd.s32 $0xFFFFC000  }
0x42: {  	[tilespmem:s13], [sflag:$0x1] =	stream.indirect.gather [hbm4b:s3+s15], $0x80, s19, s15, $0xb8;
	[tilespmem:$0x1B400] =	vst v63  }
0x43: {  	s0 =	simm.s32 $0x7;
	s22 =	sshll.u32 s20, $0xE;
	_ =	swait.ge [sflag:s24], $0x4000  }
0x44: {  	s18 =	simm.s32 $0x8;
	s20 =	sor.u32 $0x3400, s22;
	[sflag:s24] =	ssyncset.done $0x0  }
0x45: {  	s19 =	smul.u32 $0xAB, s0;
	s13 =	smov.u32 s1;
	[sflag:s24] =	ssyncadd.s32 $0xFFFFC000  }
.LBB2_4:
0x46: {  	[hbm4b:s13+s2] =	stream.linear.scatter [tilespmem:s20], [sflag:$0x2], $0x4000, $0x38;
	[tilespmem:$0x1B400] =	vst v63  }
0x47: {  	s20 =	smov.u32 s18;
	s13 =	smov.u32 s30  }
0x48: {  	s21 =	sadd.s32 $0x1, s18;
	s22 =	sshrl.u32 s19, $0xA;
	s19 =	sadd.s32 $0xFFFFFD54, s19  }
0x49: {  	p0 =	sne.s32 s18, $0x67;
	s18 =	sand.u32 $0x3F, s22;
	s19 =	sshrl.u32 s19, $0xA  }
0x4a: {  	s18 =	smul.u32 $0x6, s18;
	s19 =	sand.u32 $0x3F, s19  }
0x4b: {  	s19 =	smul.u32 $0x6, s19  }
0x4c: {  	s18 =	ssub.s32 s0, s18  }
0x4d: {  	_ =	swait.ge [sflag:s28], $0x4000;
	s18 =	sand.u32 $0xFF, s18;
	s0 =	ssub.s32 s0, s19  }
0x4e: {  	[sflag:s28] =	ssyncset.done $0x0;
	s18 =	sshll.u32 s18, $0xE;
	s0 =	sadd.s32 $0xFFFFFFFC, s0  }
0x4f: {  	s30 =	sadd.s32 $0x800, s30;
	[sflag:s28] =	ssyncadd.s32 $0xFFFFC000  }
.Ltmp1:
0x50: {  	s18 =	sor.u32 $0x3400, s18;
	s0 =	sand.u32 $0xFF, s0;
	(pc) =	sbr.rel @p0 .LBB2_4-.Ltmp1, $4  }
0x51: {  	[tilespmem:s18], [sflag:$0x1] =	stream.indirect.gather [hbm4b:s3+s15], $0x80, s31, s15, $0xb8;
	[tilespmem:$0x1B400] =	vst v63  }
0x52: {  	s18 =	sshll.u32 s0, $0xE;
	s0 =	smov.u32 s20;
	_ =	swait.ge [sflag:s24], $0x4000  }
0x53: {  	s31 =	sadd.s32 $0x80, s31;
	s19 =	smul.u32 $0xAB, s0;
	[sflag:s24] =	ssyncset.done $0x0  }
0x54: {  	s20 =	sor.u32 $0x3400, s18;
	s18 =	smov.u32 s21;
	[sflag:s24] =	ssyncadd.s32 $0xFFFFC000  }
0x55: {  	[hbm4b:s13+s2] =	stream.linear.scatter [tilespmem:s20], [sflag:$0x2], $0x4000, $0x38;
	[tilespmem:$0x1B400] =	vst v63  }
0x56: {  	s21 =	sshrl.u32 s19, $0xA  }
0x57: {  	s18 =	sadd.s32 $0xFFFFFD54, s19;
	s13 =	sand.u32 $0x3F, s21  }
0x58: {  	s18 =	sshrl.u32 s18, $0xA;
	s13 =	smul.u32 $0x6, s13  }
0x59: {  	s18 =	sand.u32 $0x3F, s18  }
0x5a: {  	s18 =	smul.u32 $0x6, s18;
	s13 =	ssub.s32 s0, s13  }
0x5b: {  	_ =	swait.ge [sflag:s28], $0x4000;
	s13 =	sand.u32 $0xFF, s13  }
0x5c: {  	[sflag:s28] =	ssyncset.done $0x0;
	s22 =	ssub.s32 s0, s18;
	s13 =	sshll.u32 s13, $0xE  }
0x5d: {  	[sflag:s28] =	ssyncadd.s32 $0xFFFFC000;
	s0 =	sadd.s32 $0xFFFFFFFC, s22;
	s13 =	sor.u32 $0x3400, s13  }
0x5e: {  	[tilespmem:s13], [sflag:$0x1] =	stream.indirect.gather [hbm4b:s3+s15], $0x80, s31, s15, $0xb8;
	[tilespmem:$0x1B400] =	vst v63  }
0x5f: {  	s0 =	sand.u32 $0xFF, s0;
	_ =	swait.ge [sflag:s24], $0x4000  }
0x60: {  	s0 =	sshll.u32 s0, $0xE;
	[sflag:s24] =	ssyncset.done $0x0  }
0x61: {  	s0 =	sor.u32 $0x3400, s0;
	[sflag:s24] =	ssyncadd.s32 $0xFFFFC000  }
0x62: {  	[hbm4b:s30+s2] =	stream.linear.scatter [tilespmem:s0], [sflag:$0x2], $0x4000, $0x38;
	[tilespmem:$0x1B400] =	vst v63  }
0x63: {  	_ =	swait.ge [sflag:s28], $0x4000  }
0x64: {  	[sflag:s28] =	ssyncset.done $0x0  }
0x65: {  	[sflag:s28] =	ssyncadd.s32 $0xFFFFC000  }
0x66: {  	_ =	swait.ge [sflag:s24], $0x4000  }
0x67: {  	[sflag:s24] =	ssyncset.done $0x0  }
0x68: {  	[sflag:s24] =	ssyncadd.s32 $0xFFFFC000  }
0x69: {  	[hbm4b:s7+s2] =	stream.linear.scatter [tilespmem:s23], [sflag:$0x2], $0x4000, $0x38;
	[tilespmem:$0x1B400] =	vst v63  }
0x6a: {  	_ =	swait.ge [sflag:s28], $0x4000  }
0x6b: {  	[sflag:s28] =	ssyncset.done $0x0  }
0x6c: {  	[sflag:s28] =	ssyncadd.s32 $0xFFFFC000  }
0x6d: {  	_ =	swait.ge [sflag:s24], $0x4000  }
0x6e: {  	[sflag:s24] =	ssyncset.done $0x0  }
0x6f: {  	[sflag:s24] =	ssyncadd.s32 $0xFFFFC000  }
0x70: {  	[hbm4b:s8+s2] =	stream.linear.scatter [tilespmem:s26], [sflag:$0x2], $0x4000, $0x38;
	[tilespmem:$0x1B400] =	vst v63  }
0x71: {  	_ =	swait.ge [sflag:s28], $0x4000  }
0x72: {  	[sflag:s28] =	ssyncset.done $0x0  }
0x73: {  	[sflag:s28] =	ssyncadd.s32 $0xFFFFC000  }
0x74: {  	_ =	swait.ge [sflag:s24], $0x4000  }
0x75: {  	[sflag:s24] =	ssyncset.done $0x0  }
0x76: {  	[sflag:s24] =	ssyncadd.s32 $0xFFFFC000  }
0x77: {  	[hbm4b:s9+s2] =	stream.linear.scatter [tilespmem:s16], [sflag:$0x2], $0x4000, $0x38;
	[tilespmem:$0x1B400] =	vst v63  }
0x78: {  	_ =	swait.ge [sflag:s28], $0x4000  }
0x79: {  	[sflag:s28] =	ssyncset.done $0x0  }
0x7a: {  	[sflag:s28] =	ssyncadd.s32 $0xFFFFC000  }
0x7b: {  	_ =	swait.ge [sflag:s24], $0x4000  }
0x7c: {  	[sflag:s24] =	ssyncset.done $0x0  }
0x7d: {  	s29 =	sadd.s32 $0x1, s29;
	[sflag:s24] =	ssyncadd.s32 $0xFFFFC000  }
0x7e: {  	[hbm4b:s10+s2] =	stream.linear.scatter [tilespmem:s17], [sflag:$0x2], $0x4000, $0x38;
	[tilespmem:$0x1B400] =	vst v63  }
0x7f: {  	p0 =	sne.s32 s29, s11;
	_ =	swait.ge [sflag:s28], $0x4000  }
.Ltmp2:
0x80: {  	[sflag:s28] =	ssyncset.done $0x0;
	(pc) =	sbr.rel @p0 .LBB2_1-.Ltmp2, $4  }
0x81: {  	[sflag:s28] =	ssyncadd.s32 $0xFFFFC000  }
0x82: {  	_ =	swait.ge [sflag:s28], $0x4000  }
0x83: {  	[sflag:s28] =	ssyncset.done $0x0  }
0x84: {  	[sflag:s28] =	ssyncadd.s32 $0xFFFFC000  }
0x85: {  	_ =	sfence.sel $0x180000  }
0x86: {  	[bflag:$0x0] =	sbarrier.arrive $0xFFFF  }
0x87: {  	_ =	strace $0x9000004A  }
0x88: {  	s0 =	stileid.u32;
	[bflag:$0x2] =	sbarrier.arrive $0xFFFF  }
0x89: {  	p0 =	sne.s32 s0, $0x0;
	s0 =	rddreg [dreg:$0x2]  }
0x8a: {  	s0 =	sadd.s32 @!p0 $0x100000, s0  }
0x8b: {  	[sflag:s0] =	ssyncadd.tile.s32 @!p0 $0x1;
	_ =	shalt  }
.Lfunc_end2:
_tile_overlayer_lowered:
.L_overlay_start_2:
0x8c: {  	(tag) =	ssettag $0x2  }
0x8d: {  	s0 =	rddreg [dreg:$0x0];
	s2 =	stileid.u32  }
0x8e: {  	s1 =	rddreg [dreg:$0x1];
	p0 =	sne.s32 s2, $0x0  }
0x8f: {  	s3 =	rddreg [dreg:$0x2];
	[bflag:$0x3] =	sbarrier.arrive $0xFFFF;
	s2 =	simm.s32 @!p0 $0x1C03  }
0x90: {  	[timem:s3], [sflag:s2] =	dma.local @!p0 [hbm:s0], s1  }
0x91: {  	s0 =	simm.s32 @!p0 $0x3  }
0x92: {  	_ =	swait.ge @!p0 [sflag:s0], s1  }
0x93: {  	s1 =	ssub.s32 @!p0 $0x0, s1;
	[sflag:s0] =	ssyncset.done @!p0 $0x0  }
0x94: {  	[sflag:s0] =	ssyncadd.s32 @!p0 s1  }
0x95: {  	[bflag:$0x3] =	sbarrier.arrive $0xFFFF  }
0x96: {  	_ =	shalt  }

// kernel: sparse-core-data-format-call.1.cloned.1.call-start
scs
called_computation.1_lowered:
.L_overlay_start_0:
0x0: {  	s2 =	sld [smem:$0x3FD9]  }
0x1: {  	s3 =	sld [smem:$0x3FFE];
	_ =	sdelay $0x1  }
0x2: {  	s1 =	srdreg.scid  }
0x3: {  	s0 =	sand.u32 $0x1, s1  }
0x4: {  	s18 =	sshll.u32 s0, $0xA;
	s2 =	sadd.s32 s3, s2  }
0x5: {  	s2 =	sadd.s32 s2, s18  }
0x6: {  	[smem:$0x3FC6] =	sst s2  }
0x7: {  	_ = 	snop  }
0x8: {  	s2 =	sld [smem:$0x3FC8];
	(tm) =	ssettm $0x1  }
0x9: {  	s19 =	sld [smem:$0x3FFB];
	_ =	sdelay $0x3  }
0xa: {  	_ =	strace s19  }
0xb: {  	s3 =	sld [smem:$0x3FFC];
	_ =	sdelay $0x3  }
0xc: {  	_ =	strace s3  }
0xd: {  	s3 =	sld [smem:$0x3FFD];
	_ =	sdelay $0x3  }
0xe: {  	_ =	strace s3  }
0xf: {  	_ =	strace $0x8FFFFFFF  }
0x10: {  	s20 =	sld [smem:$0x3FDB];
	_ =	sdelay $0x1  }
0x11: {  	s4 =	simm.s32 $_scs_section_size  }
0x12: {  	s5 =	simm.s32 $_size__tile_overlayer_lowered;
	s6 =	simm.s32 $_tile_overlayer_lowered  }
0x13: {  	s23 =	simm.s32 $0x1BFF;
	s22 =	sshll.u32 s6, $0x1;
	s3 =	sadd.s32 s4, s20  }
0x14: {  	s7 =	simm.s32 $0x0;
	s21 =	sshll.u32 s5, $0x1;
	s5 =	sadd.s32 s22, s3  }
0x15: {  	[timem:s7], [sflag:s23] =	dma.local [hbm:s5], s21  }
0x16: {  	_ =	swait.ge [sflag:s23], s21  }
0x17: {  	s4 =	ssub.s32 $0x0, s21;
	[sflag:s23] =	ssyncset.done $0x0  }
0x18: {  	[sflag:s23] =	ssyncadd.s32 s4;
	_ =	sdelay $0x1  }
0x19: {  	s24 =	simm.s32 $0x1B8B  }
0x1a: {  	_ =	swait.ge [sflag:s24], $0x1  }
0x1b: {  	[sflag:s24] =	ssyncset.done $0x0  }
0x1c: {  	s26 =	simm.s32 $0x1B8E;
	s25 =	sld [smem:$0x3FFE];
	[sflag:s24] =	ssyncadd.s32 $0xFFFFFFFF  }
0x1d: {  	s27 =	simm.s32 $execute0_lowered;
	[smem:$0x3FD2] =	sst s26  }
0x1e: {  	s5 =	sshll.u32 s27, $0x1;
	_ =	strace $0x80000046;
	[dreg:$0x1] =	wrdreg $0xFFFFFFFF  }
0x1f: {  	s28 =	simm.s32 $_size_execute0_lowered;
	s3 =	sadd.s32 s3, s5;
	[dreg:$0x0] =	wrdreg $0x0  }
0x20: {  	s5 =	sshll.u32 s28, $0x1;
	[dreg:$0x2] =	wrdreg s3  }
0x21: {  	[dreg:$0x3] =	wrdreg s5  }
0x22: {  	[dreg:$0x4] =	wrdreg $0xC0  }
0x23: {  	_ =	task [dreg:s7], $0x5FFFF  }
0x24: {  	[dreg:$0x1] =	wrdreg $0xFFFFFFFF  }
0x25: {  	[dreg:$0x0] =	wrdreg $0x60  }
0x26: {  	[dreg:$0x2] =	wrdreg s2  }
0x27: {  	[dreg:$0x3] =	wrdreg s25  }
0x28: {  	[dreg:$0x4] =	wrdreg $0x9  }
0x29: {  	_ =	task.clear_ibuf [dreg:s7], $0x5FFFF;
	_ =	strace $0x90000046  }
0x2a: {  	s29 =	simm.s32 $0x9;
	_ =	strace $0x80000048  }
0x2b: {  	_ =	swait.ge [sflag:s29], $0x1  }
0x2c: {  	[sflag:s29] =	ssyncadd.s32 $0xFFFFFFFF  }
0x2d: {  	_ =	strace $0x90000048  }
0x2e: {  	_ =	sfence  }
0x2f: {  	s30 =	sld [smem:$0x0];
	_ =	sdelay $0x2  }
0x30: {  	s31 =	sshll.u32 s1, $0xD;
	s1 =	sshrl.u32 s1, $0x2  }
0x31: {  	s3 =	sand.u32 $0x4000, s31;
	s1 =	sadd.s32 s1, s30  }
0x32: {  	s0 =	sor.u32 s3, s0;
	s1 =	sshll.u32 s1, $0x11  }
0x33: {  	s0 =	sor.u32 s1, s0  }
0x34: {  	s0 =	sadd.s32 $0x8F2B, s0  }
0x35: {  	[sflag:s0] =	ssyncadd.remote.s32 $0x1  }
0x36: {  	_ =	sfence.sel $0xFFFF  }
0x37: {  	[dreg:$0x0] =	wrdreg $0xFFFFFFFF;
	(pc) =	sbr.abs _section_cstart, $3  }
0x38: {  	[dreg:$0x1] =	wrdreg $0xFFFFFFFF  }
0x39: {  	_ =	task.clear_ibuf [dreg:s7], $0x2FFFF;
	_ =	strace $0x9FFFFFFF  }
0x3a: {  	(tm) =	ssettm $0x7FFFFFFF  }
0x3b: {  	_ =	shalt  }
tec
execute0_lowered:
.L_overlay_start_1:
0x0: {  	(tag) =	ssettag $0x1  }
0x1: {  	s2 =	rddreg [dreg:$0x0]  }
0x2: {  	s0 =	srdreg.scid;
	s5 =	rddreg [dreg:$0x1]  }
0x3: {  	s31 =	simm.s32 $0x2;
	s16 =	simm.s32 $0x0;
	p0 =	por $0x0, $0x0  }
0x4: {  	s8 =	simm.s32 $0x80;
	s17 =	simm.s32 $0x0;
	s1 =	sshll.u32 s0, $0x4  }
0x5: {  	s18 =	simm.s32 $0x0;
	s0 =	stileid.u32;
	s1 =	sand.u32 $0x10, s1  }
0x6: {  	s9 =	simm.s32 $0x0;
	s10 =	simm.s32 $0x0;
	s1 =	sor.u32 s0, s1  }
0x7: {  	s11 =	simm.s32 $0x0;
	s13 =	simm.s32 $0x0;
	s3 =	sshll.u32 s1, $0x8  }
.Ltmp0:
0x8: {  	s14 =	simm.s32 $0x0;
	s4 =	ssub.s32 $0x18600, s3;
	(pc) =	sbr.rel .LBB1_1-.Ltmp0, $4  }
0x9: {  	s15 =	simm.s32 $0x0;
	s1 =	rddreg [dreg:$0x2];
	s6 =	sshrl.u32 s4, $0xD  }
0xa: {  	_ =	strace $0x80000047;
	s4 =	simm.s32 $0x1;
	s7 =	smul.u32 $0x1A, s6  }
0xb: {  	s5 =	sadd.s32 $0xE00, s5;
	s12 =	smov.u32 s3;
	[sflag:s4] =	ssyncpa.u1 $0x0  }
0xc: {  	[sflag:s31] =	ssyncpa.u1 $0x0;
	s6 =	sadd.s32 $0x1A, s7;
	s7 =	sadd.s32 $0x1B, s7  }
.LBB1_5:
0xd: {  	p1 =	slt.u32 s15, $0x2  }
0xe: {  	s19 =	smov.u32 s18;
	p2 =	sgt.s32 @!p1 s18, $0x19  }
0xf: {  	s20 =	sshra.s32 @!p1 s18, $0x1F;
	p3 =	sgt.s32 @!p1 s16, $0x185A0;
	p4 =	sgt.s32 @!p1 s17, $0x40  }
0x10: {  	s21 =	sshra.s32 @!p1 s17, $0x1F;
	p2 =	por !p2, p1;
	s18 =	sand.u32 @!p1 s20, s18  }
0x11: {  	p4 =	por !p4, p1;
	s20 =	smov.u32 s17;
	s19 =	simm.s32 @p2 $0x19  }
0x12: {  	s17 =	sand.u32 @!p1 s21, s17;
	s20 =	simm.s32 @p4 $0x40;
	s18 =	ssub.s32 @!p1 s19, s18  }
0x13: {  	p3 =	por !p3, p1;
	s17 =	ssub.s32 @!p1 s20, s17;
	s19 =	sadd.s32 @!p1 $0xFFFFFFE7, s18  }
0x14: {  	s20 =	sshra.s32 @!p1 s16, $0x1F;
	s18 =	ssub.s32 @!p1 $0x1A, s18;
	p2 =	sgt.s32 @!p1 s19, $0x0  }
0x15: {  	s19 =	smov.u32 s16;
	s16 =	sand.u32 @!p1 s20, s16;
	s20 =	sadd.s32 @!p1 $0xFFFFFFC0, s17  }
0x16: {  	s17 =	ssub.s32 @!p1 $0x80, s17;
	s19 =	simm.s32 @p3 $0x185A0;
	p2 =	por !p2, p1  }
0x17: {  	s18 =	simm.s32 @!p2 $0x0;
	s16 =	ssub.s32 @!p1 s19, s16;
	p2 =	sgt.s32 @!p1 s20, $0x3F  }
0x18: {  	s20 =	smov.u32 s13;
	s19 =	sadd.s32 @!p1 $0xFFFE7A60, s16;
	p2 =	por !p2, p1  }
0x19: {  	s16 =	ssub.s32 @!p1 $0x186A0, s16;
	s17 =	simm.s32 @!p2 $0x0;
	p2 =	sgt.s32 @!p1 s19, $0xFF  }
0x1a: {  	s19 =	sadd.s32 $0x2000, s12;
	p2 =	por !p2, p1;
	s17 =	smul.u32 @!p1 s18, s17  }
0x1b: {  	s18 =	sadd.s32 $0x40, s13;
	s16 =	simm.s32 @!p2 $0x0;
	p2 =	sgt.s32 s19, $0x1869F  }
0x1c: {  	s16 =	smul.u32 @!p1 s16, s17;
	s20 =	smov.u32 @p2 s18  }
0x1d: {  	s19 =	smov.u32 @p2 s3;
	s17 =	simm.s32 $0x1;
	p2 =	sgt.s32 s20, $0x3F  }
0x1e: {  	s17 =	simm.s32 @!p2 $0x0  }
0x1f: {  	p0 =	por !p0, !p0;
	s23 =	sadd.s32 s17, s14  }
0x20: {  	s21 =	simm.s32 @!p1 $0x2;
	s20 =	simm.s32 @p2 $0x0;
	p2 =	sgt.s32 s23, $0x19  }
0x21: {  	s18 =	smov.u32 s11;
	s23 =	simm.s32 @p2 $0x0;
	p2 =	sne.s32 s15, s7  }
.Ltmp1:
0x22: {  	s11 =	smov.u32 s14;
	s16 =	sand.u32 @!p1 $0x3FFFFFFF, s16;
	(pc) =	sbr.rel @!p2 .LBB1_6-.Ltmp1, $4  }
0x23: {  	_ =	swait.ge @!p1 [sflag:s21], s16;
	s22 =	ssub.s32 @!p1 $0x0, s16;
	s16 =	smov.u32 s9  }
0x24: {  	s17 =	smov.u32 s10;
	s9 =	smov.u32 s12;
	s10 =	smov.u32 s13  }
0x25: {  	s12 =	smov.u32 s19;
	s13 =	smov.u32 s20;
	[sflag:s21] =	ssyncset.done @!p1 $0x0  }
0x26: {  	s15 =	sadd.s32 $0x1, s15;
	[sflag:s21] =	ssyncadd.s32 @!p1 s22;
	s14 =	smov.u32 s23  }
.LBB1_1:
0x27: {  	p1 =	sge.u32 s15, s6  }
0x28: {  	s19 =	sshrl.u32 @!p1 s13, $0x3  }
0x29: {  	s20 =	sshll.u32 @!p1 s12, $0x3;
	s19 =	smul.u32 @!p1 $0xC3800, s19  }
0x2a: {  	s21 =	sshll.u32 @!p1 s13, $0x7;
	s20 =	sand.u32 @!p1 $0xFFFFFC00, s20  }
0x2b: {  	s19 =	sadd.s32 @!p1 s19, s20;
	s20 =	sand.u32 @!p1 $0x380, s21  }
0x2c: {  	s21 =	sand.u32 @!p1 $0x7F, s12;
	s19 =	sor.u32 @!p1 s20, s19  }
0x2d: {  	s20 =	sor.u32 @!p1 s21, s19  }
0x2e: {  	s21 =	smulhi.u32 @!p1 $0xA79C7B17, s20  }
0x2f: {  	s19 =	smulhi.u32 @!p1 $0xA79C7B17, s19  }
0x30: {  	s21 =	sshrl.u32 @!p1 s21, $0x10  }
0x31: {  	s19 =	sshrl.u32 @!p1 s19, $0x10;
	s21 =	smul.u32 @!p1 $0x18700, s21  }
0x32: {  	s22 =	sxor.u32 @!p1 $0xFFFFFFFF, s15;
	s23 =	smul.u32 @!p1 $0xC3800, s14;
	s19 =	sand.u32 @!p1 $0x3F, s19  }
0x33: {  	s22 =	sshll.u32 @!p1 s22, $0xE;
	s19 =	smul.u32 @!p1 $0x30E0, s19;
	s20 =	ssub.s32 @!p1 s20, s21  }
0x34: {  	s21 =	sand.u32 @!p1 $0x4000, s22;
	s22 =	sadd.s32 @!p1 s2, s23;
	s23 =	sand.u32 @!p1 $0x7, s20  }
0x35: {  	s20 =	sshrl.u32 @!p1 s20, $0x3;
	s19 =	sadd.s32 @!p1 s19, s22;
	s22 =	sshll.u32 @!p1 s23, $0x12  }
0x36: {  	s19 =	sadd.s32 @!p1 s20, s19;
	s20 =	sor.u32 @!p1 $0x800, s22;
	s22 =	simm.s32 @!p1 $0xC3800  }
0x37: {  	[tilespmem:s21], [sflag:$0x1] =	stream.strided.gather @!p1 [hbm4b:s19+s20], $0x4000, s22, s20, $0x38;
	[tilespmem:$0x10200] =	vst v63  }
0x38: {  	p1 =	seq.s32 s15, $0x0  }
0x39: {  	p2 =	sge.u32 @!p1 s15, s7  }
0x3a: {  	p1 =	por p1, p2  }
.Ltmp2:
0x3b: {  	_ = 	snop;
	(pc) =	sbr.rel @p1 .LBB1_5-.Ltmp2, $1  }
0x3c: {  	_ =	sdelay $0x3  }
0x3d: {  	s21 =	simm.s32 $0x0  }
0x3e: {  	s22 =	sand.u32 $0x3800, s21;
	s23 =	sand.u32 $0x380, s21  }
0x3f: {  	s19 =	sand.u32 $0x1, s15;
	s23 =	sor.u32 s23, s22  }
0x40: {  	_ =	swait.ge [sflag:s4], $0x4000;
	s20 =	sshll.u32 s19, $0xE;
	s22 =	sand.u32 $0x3B00, s23  }
0x41: {  	[sflag:s4] =	ssyncset.done $0x0;
	s21 =	sand.u32 $0x80, s21;
	s22 =	sadd.s32 s22, s20  }
0x42: {  	[sflag:s4] =	ssyncadd.s32 $0xFFFFC000;
	s25 =	sadd.s32 s21, s22  }
0x43: {  	v4 =	vld [tilespmem:s25+$0x400]  }
0x44: {  	s24 =	simm.s32 $0x1;
	v5 =	vld [tilespmem:s25+$0x0]  }
0x45: {  	s24 =	simm.s32 @!p0 $0x0;
	v6 =	vld [tilespmem:s25+$0x10]  }
0x46: {  	v0 =	vmov s20;
	s31 =	smul.u32 $0x10400, s24;
	v7 =	vld [tilespmem:s25+$0x20]  }
0x47: {  	v9 =	vld [tilespmem:s25+$0x30]  }
0x48: {  	s21 =	sshrl.u32 s31, $0x2;
	v10 =	vld [tilespmem:s25+$0x40]  }
0x49: {  	s21 =	sor.u32 $0x8000, s21;
	v11 =	vld [tilespmem:s25+$0x50]  }
0x4a: {  	v8 =	vld [tilespmem:s25+$0x60];
	s22 =	sadd.s32 $0x0, s21  }
0x4b: {  	v1 =	vld.idx.msk [tilespmem:v0+s23+$0x410 ss:$0x1], $0xffff;
	[tilespmem:s22+$0x2080 ss:$0x41] =	vst.msk $0xffff, v4  }
0x4c: {  	v2 =	vld.idx.msk [tilespmem:v0+s23+$0x420 ss:$0x1], $0xffff;
	[tilespmem:s22+$0x0 ss:$0x41] =	vst.msk $0xffff, v5  }
0x4d: {  	v3 =	vld.idx.msk [tilespmem:v0+s23+$0x430 ss:$0x1], $0xffff;
	[tilespmem:s22+$0x410 ss:$0x41] =	vst.msk $0xffff, v6  }
0x4e: {  	s19 =	smul.u32 $0x10400, s19;
	[tilespmem:s22+$0x820 ss:$0x41] =	vst.msk $0xffff, v7;
	v7 =	vld [tilespmem:s25+$0x70]  }
0x4f: {  	s26 =	simm.s32 $0x80;
	s27 =	simm.s32 $0x8;
	[tilespmem:s22+$0xC30 ss:$0x41] =	vst.msk $0xffff, v9;
	v4 =	vld.idx.msk [tilespmem:v0+s23+$0x440 ss:$0x1], $0xffff  }
0x50: {  	s29 =	sand.u32 $0x380, s26;
	s19 =	sshrl.u32 s19, $0x2;
	[tilespmem:s22+$0x1040 ss:$0x41] =	vst.msk $0xffff, v10;
	v5 =	vld.idx.msk [tilespmem:v0+s23+$0x450 ss:$0x1], $0xffff;
	s25 =	simm.s32 $0x100  }
0x51: {  	s24 =	simm.s32 $0x4;
	s19 =	sor.u32 $0x8000, s19;
	[tilespmem:s22+$0x1450 ss:$0x41] =	vst.msk $0xffff, v11;
	v6 =	vld.idx.msk [tilespmem:v0+s23+$0x460 ss:$0x1], $0xffff;
	s28 =	sand.u32 $0x3800, s25  }
.LBB1_3:
0x52: {  	p1 =	sne.s32 s27, $0xFC;
	[tilespmem:s22+$0x1860 ss:$0x41] =	vst.msk $0xffff, v8;
	v8 =	vld.idx.msk [tilespmem:v0+s23+$0x470 ss:$0x1], $0xffff;
	s23 =	sor.u32 s29, s28  }
0x53: {  	s28 =	sand.u32 $0x3B00, s23;
	v9 =	vld.idx.msk [tilespmem:v0+s23+$0x410 ss:$0x1], $0xffff;
	[tilespmem:s22+$0x1C70 ss:$0x41] =	vst.msk $0xffff, v7  }
0x54: {  	s29 =	sand.u32 $0x80, s26;
	s28 =	sadd.s32 s28, s20;
	v7 =	vld.idx.msk [tilespmem:v0+s23+$0x420 ss:$0x1], $0xffff;
	[tilespmem:s22+$0x2490 ss:$0x41] =	vst.msk $0xffff, v1  }
0x55: {  	s28 =	sadd.s32 s29, s28;
	v10 =	vld.idx.msk [tilespmem:v0+s23+$0x430 ss:$0x1], $0xffff;
	[tilespmem:s22+$0x28A0 ss:$0x41] =	vst.msk $0xffff, v2  }
0x56: {  	v11 =	vld [tilespmem:s28+$0x400];
	[tilespmem:s22+$0x2CB0 ss:$0x41] =	vst.msk $0xffff, v3  }
0x57: {  	v12 =	vld [tilespmem:s28+$0x0];
	[tilespmem:s22+$0x30C0 ss:$0x41] =	vst.msk $0xffff, v4  }
0x58: {  	v4 =	vld [tilespmem:s28+$0x10];
	[tilespmem:s22+$0x34D0 ss:$0x41] =	vst.msk $0xffff, v5  }
0x59: {  	s29 =	sshra.s32 s24, $0x2;
	s24 =	smov.u32 s27;
	v1 =	vmov v9;
	v5 =	vld [tilespmem:s28+$0x20];
	[tilespmem:s22+$0x38E0 ss:$0x41] =	vst.msk $0xffff, v6  }
0x5a: {  	v2 =	vmov v7;
	v6 =	vld [tilespmem:s28+$0x30];
	[tilespmem:s22+$0x3CF0 ss:$0x41] =	vst.msk $0xffff, v8;
	s22 =	sadd.s32 s29, s21  }
0x5b: {  	v3 =	vmov v10;
	v9 =	vld [tilespmem:s28+$0x40];
	[tilespmem:s22+$0x2080 ss:$0x41] =	vst.msk $0xffff, v11  }
0x5c: {  	[tilespmem:s22+$0x0 ss:$0x41] =	vst.msk $0xffff, v12;
	v10 =	vld [tilespmem:s28+$0x50]  }
.Ltmp3:
0x5d: {  	[tilespmem:s22+$0x410 ss:$0x41] =	vst.msk $0xffff, v4;
	v8 =	vld [tilespmem:s28+$0x60];
	(pc) =	sbr.rel @p1 .LBB1_3-.Ltmp3, $4  }
0x5e: {  	[tilespmem:s22+$0x820 ss:$0x41] =	vst.msk $0xffff, v5;
	v7 =	vld [tilespmem:s28+$0x70]  }
0x5f: {  	[tilespmem:s22+$0xC30 ss:$0x41] =	vst.msk $0xffff, v6;
	v4 =	vld.idx.msk [tilespmem:v0+s23+$0x440 ss:$0x1], $0xffff  }
0x60: {  	s26 =	sadd.s32 $0x80, s26;
	s25 =	sadd.s32 $0x100, s25;
	[tilespmem:s22+$0x1040 ss:$0x41] =	vst.msk $0xffff, v9;
	v5 =	vld.idx.msk [tilespmem:v0+s23+$0x450 ss:$0x1], $0xffff  }
0x61: {  	s27 =	sadd.s32 $0x4, s27;
	s29 =	sand.u32 $0x380, s26;
	s28 =	sand.u32 $0x3800, s25;
	[tilespmem:s22+$0x1450 ss:$0x41] =	vst.msk $0xffff, v10;
	v6 =	vld.idx.msk [tilespmem:v0+s23+$0x460 ss:$0x1], $0xffff  }
0x62: {  	_ =	sdelay $0x3  }
0x63: {  	s25 =	sor.u32 s29, s28;
	v47 =	vld.idx.msk [tilespmem:v0+s23+$0x470 ss:$0x1], $0xffff  }
0x64: {  	[tilespmem:s22+$0x1860 ss:$0x41] =	vst.msk $0xffff, v8;
	v57 =	vld.idx.msk [tilespmem:v0+s25+$0x410 ss:$0x1], $0xffff  }
0x65: {  	[tilespmem:s22+$0x2490 ss:$0x41] =	vst.msk $0xffff, v1;
	v58 =	vld.idx.msk [tilespmem:v0+s25+$0x420 ss:$0x1], $0xffff  }
0x66: {  	[tilespmem:s22+$0x28A0 ss:$0x41] =	vst.msk $0xffff, v2;
	v59 =	vld.idx.msk [tilespmem:v0+s25+$0x430 ss:$0x1], $0xffff  }
0x67: {  	[tilespmem:s22+$0x2CB0 ss:$0x41] =	vst.msk $0xffff, v3;
	v60 =	vld.idx.msk [tilespmem:v0+s25+$0x440 ss:$0x1], $0xffff  }
0x68: {  	s26 =	sand.u32 $0x80, s26;
	s27 =	sand.u32 $0x3B00, s25;
	[tilespmem:s22+$0x1C70 ss:$0x41] =	vst.msk $0xffff, v7;
	v61 =	vld.idx.msk [tilespmem:v0+s25+$0x450 ss:$0x1], $0xffff  }
0x69: {  	s29 =	sshll.u32 s10, $0x3;
	s24 =	sshra.s32 s24, $0x2;
	v62 =	vld.idx.msk [tilespmem:v0+s25+$0x460 ss:$0x1], $0xffff;
	s20 =	sadd.s32 s27, s20;
	[tilespmem:s22+$0x30C0 ss:$0x41] =	vst.msk $0xffff, v4  }
0x6a: {  	p1 =	sgt.s32 s11, $0x19;
	s31 =	sand.u32 $0xFFFFFC00, s29;
	v63 =	vld.idx.msk [tilespmem:v0+s25+$0x470 ss:$0x1], $0xffff;
	s23 =	sadd.s32 s26, s20;
	[tilespmem:s22+$0x34D0 ss:$0x41] =	vst.msk $0xffff, v5  }
0x6b: {  	p2 =	sgt.s32 s10, $0x40;
	s29 =	sshra.s32 s11, $0x1F;
	s25 =	smul.u32 $0x186A00, s11;
	v48 =	vld [tilespmem:s23+$0x400];
	[tilespmem:s22+$0x38E0 ss:$0x41] =	vst.msk $0xffff, v6  }
0x6c: {  	s26 =	sshll.u32 s9, $0x7;
	s20 =	sadd.s32 s24, s21;
	s24 =	sand.u32 s29, s11;
	v49 =	vld [tilespmem:s23+$0x0];
	[tilespmem:s22+$0x3CF0 ss:$0x41] =	vst.msk $0xffff, v47  }
0x6d: {  	s29 =	sshra.s32 s9, $0x1F;
	v50 =	vld [tilespmem:s23+$0x10];
	s30 =	sand.u32 $0xFFFFFC00, s26;
	s28 =	sand.u32 $0x380, s26;
	[tilespmem:s20+$0x2490 ss:$0x41] =	vst.msk $0xffff, v57  }
0x6e: {  	v51 =	vld [tilespmem:s23+$0x20];
	s27 =	sadd.s32 s31, s30;
	s22 =	smov.u32 s11;
	s31 =	sshra.s32 s10, $0x1F;
	[tilespmem:s20+$0x28A0 ss:$0x41] =	vst.msk $0xffff, v58  }
0x6f: {  	v52 =	vld [tilespmem:s23+$0x30];
	s21 =	sor.u32 s28, s27;
	s22 =	simm.s32 @!p1 $0x19;
	s28 =	sand.u32 s31, s10;
	[tilespmem:s20+$0x2CB0 ss:$0x41] =	vst.msk $0xffff, v59  }
0x70: {  	v53 =	vld [tilespmem:s23+$0x40];
	s27 =	smov.u32 s9;
	[tilespmem:s20+$0x30C0 ss:$0x41] =	vst.msk $0xffff, v60;
	s21 =	sshrl.u32 s21, $0x7;
	s22 =	ssub.s32 s22, s24  }
0x71: {  	v54 =	vld [tilespmem:s23+$0x50];
	[tilespmem:s20+$0x34D0 ss:$0x41] =	vst.msk $0xffff, v61;
	s24 =	smov.u32 s10;
	s26 =	smulhi.u32 $0x14F8B59, s21;
	s30 =	sadd.s32 $0xFFFFFFE7, s22  }
0x72: {  	v55 =	vld [tilespmem:s23+$0x60];
	[tilespmem:s20+$0x38E0 ss:$0x41] =	vst.msk $0xffff, v62;
	s24 =	simm.s32 @!p2 $0x40;
	p2 =	sgt.s32 s9, $0x185A0;
	s22 =	ssub.s32 $0x1A, s22  }
0x73: {  	v56 =	vld [tilespmem:s23+$0x70];
	[tilespmem:s20+$0x3CF0 ss:$0x41] =	vst.msk $0xffff, v63;
	p1 =	sgt.s32 s30, $0x0;
	s23 =	ssub.s32 s24, s28;
	s27 =	simm.s32 @!p2 $0x185A0  }
0x74: {  	[tilespmem:s20+$0x2080 ss:$0x41] =	vst.msk $0xffff, v48;
	s24 =	sand.u32 s29, s9;
	s28 =	sand.u32 $0x7, s10;
	s26 =	sshrl.u32 s26, $0x9  }
0x75: {  	[tilespmem:s20+$0x0 ss:$0x41] =	vst.msk $0xffff, v49;
	s24 =	ssub.s32 s27, s24;
	s30 =	sadd.s32 $0xFFFFFFC0, s23;
	s22 =	simm.s32 @p1 $0x0  }
0x76: {  	[tilespmem:s20+$0x410 ss:$0x41] =	vst.msk $0xffff, v50;
	s23 =	ssub.s32 $0x80, s23;
	s27 =	sshrl.u32 s10, $0x3;
	p1 =	sgt.s32 s30, $0x3F  }
0x77: {  	[tilespmem:s20+$0x820 ss:$0x41] =	vst.msk $0xffff, v51;
	s26 =	smul.u32 $0x186A0, s26;
	s31 =	sadd.s32 $0xFFFE7A60, s24;
	s23 =	simm.s32 @p1 $0x0  }
0x78: {  	[tilespmem:s20+$0xC30 ss:$0x41] =	vst.msk $0xffff, v52;
	s24 =	ssub.s32 $0x186A0, s24;
	p1 =	sgt.s32 s31, $0xFF;
	s22 =	smul.u32 s22, s23  }
.Ltmp4:
0x79: {  	[tilespmem:s20+$0x1040 ss:$0x41] =	vst.msk $0xffff, v53;
	s24 =	simm.s32 @p1 $0x0;
	s21 =	ssub.s32 s21, s26;
	(pc) =	sbr.rel .LBB1_5-.Ltmp4, $4  }
0x7a: {  	[tilespmem:s20+$0x1450 ss:$0x41] =	vst.msk $0xffff, v54;
	s23 =	sadd.s32 s5, s25;
	s22 =	smul.u32 s24, s22;
	s24 =	sand.u32 $0xF, s27  }
0x7b: {  	[tilespmem:s20+$0x1860 ss:$0x41] =	vst.msk $0xffff, v55;
	s29 =	sshll.u32 s28, $0x12;
	s21 =	sshll.u32 s21, $0x4;
	s23 =	sadd.s32 s24, s23  }
0x7c: {  	[tilespmem:s20+$0x1C70 ss:$0x41] =	vst.msk $0xffff, v56;
	s31 =	sor.u32 $0x40, s29;
	s30 =	sand.u32 $0x3FFFFFFF, s22;
	s21 =	sadd.s32 s21, s23  }
0x7d: {  	[hbm4b:s21+s31] =	stream.strided.scatter [tilespmem:s19], [sflag:$0x2], s30, s8, s31, $0x18;
	[tilespmem:$0x10200] =	vst v63  }
.LBB1_6:
0x7e: {  	_ =	sfence.sel $0x180000  }
0x7f: {  	s2 =	simm.s32 $0x1;
	[bflag:$0x0] =	sbarrier.arrive $0xFFFF  }
0x80: {  	s31 =	simm.s32 $0x2;
	[sflag:s2] =	ssyncpa.u1 $0x1  }
0x81: {  	[sflag:s31] =	ssyncpa.u1 $0x1  }
0x82: {  	p0 =	sne.s32 s0, $0x0;
	_ =	strace $0x90000047  }
0x83: {  	s0 =	sadd.s32 @!p0 $0x100000, s1;
	[bflag:$0x2] =	sbarrier.arrive $0xFFFF  }
0x84: {  	[sflag:s0] =	ssyncadd.tile.s32 @!p0 $0x1;
	_ =	shalt  }
.Lfunc_end1:
_tile_overlayer_lowered:
.L_overlay_start_2:
0x85: {  	(tag) =	ssettag $0x2  }
0x86: {  	s0 =	rddreg [dreg:$0x0];
	s2 =	stileid.u32  }
0x87: {  	s1 =	rddreg [dreg:$0x1];
	p0 =	sne.s32 s2, $0x0  }
0x88: {  	s3 =	rddreg [dreg:$0x2];
	[bflag:$0x3] =	sbarrier.arrive $0xFFFF;
	s2 =	simm.s32 @!p0 $0x1C01  }
0x89: {  	[timem:s3], [sflag:s2] =	dma.local @!p0 [hbm:s0], s1  }
0x8a: {  	s0 =	simm.s32 @!p0 $0x1  }
0x8b: {  	_ =	swait.ge @!p0 [sflag:s0], s1  }
0x8c: {  	s1 =	ssub.s32 @!p0 $0x0, s1;
	[sflag:s0] =	ssyncset.done @!p0 $0x0  }
0x8d: {  	[sflag:s0] =	ssyncadd.s32 @!p0 s1  }
0x8e: {  	[bflag:$0x3] =	sbarrier.arrive $0xFFFF  }
0x8f: {  	_ =	shalt  }

// kernel: sparse-core-data-format-call.cloned.1.call-start
scs
called_computation_lowered:
.L_overlay_start_0:
0x0: {  	s2 =	sld [smem:$0x3FD9]  }
0x1: {  	s3 =	sld [smem:$0x3FFE];
	_ =	sdelay $0x1  }
0x2: {  	s1 =	srdreg.scid  }
0x3: {  	s0 =	sand.u32 $0x1, s1  }
0x4: {  	s18 =	sshll.u32 s0, $0xA;
	s2 =	sadd.s32 s3, s2  }
0x5: {  	s2 =	sadd.s32 s2, s18  }
0x6: {  	[smem:$0x3FC6] =	sst s2  }
0x7: {  	_ = 	snop  }
0x8: {  	s2 =	sld [smem:$0x3FD0];
	(tm) =	ssettm $0x1  }
0x9: {  	s19 =	sld [smem:$0x3FFB];
	_ =	sdelay $0x3  }
0xa: {  	_ =	strace s19  }
0xb: {  	s3 =	sld [smem:$0x3FFC];
	_ =	sdelay $0x3  }
0xc: {  	_ =	strace s3  }
0xd: {  	s3 =	sld [smem:$0x3FFD];
	_ =	sdelay $0x3  }
0xe: {  	_ =	strace s3  }
0xf: {  	_ =	strace $0x8FFFFFFF  }
0x10: {  	s20 =	sld [smem:$0x3FDB];
	_ =	sdelay $0x1  }
0x11: {  	s4 =	simm.s32 $_scs_section_size  }
0x12: {  	s5 =	simm.s32 $_size__tile_overlayer_lowered;
	s6 =	simm.s32 $_tile_overlayer_lowered  }
0x13: {  	s23 =	simm.s32 $0x1BFF;
	s22 =	sshll.u32 s6, $0x1;
	s3 =	sadd.s32 s4, s20  }
0x14: {  	s7 =	simm.s32 $0x0;
	s21 =	sshll.u32 s5, $0x1;
	s5 =	sadd.s32 s22, s3  }
0x15: {  	[timem:s7], [sflag:s23] =	dma.local [hbm:s5], s21  }
0x16: {  	_ =	swait.ge [sflag:s23], s21  }
0x17: {  	s4 =	ssub.s32 $0x0, s21;
	[sflag:s23] =	ssyncset.done $0x0  }
0x18: {  	[sflag:s23] =	ssyncadd.s32 s4;
	_ =	sdelay $0x1  }
0x19: {  	s24 =	simm.s32 $0x1B8B  }
0x1a: {  	_ =	swait.ge [sflag:s24], $0x1  }
0x1b: {  	[sflag:s24] =	ssyncset.done $0x0  }
0x1c: {  	s26 =	simm.s32 $0x1B8E;
	s25 =	sld [smem:$0x3FFE];
	[sflag:s24] =	ssyncadd.s32 $0xFFFFFFFF  }
0x1d: {  	s27 =	simm.s32 $execute0_lowered;
	[smem:$0x3FD2] =	sst s26  }
0x1e: {  	s5 =	sshll.u32 s27, $0x1;
	_ =	strace $0x8000004C;
	[dreg:$0x1] =	wrdreg $0xFFFFFFFF  }
0x1f: {  	s28 =	simm.s32 $_size_execute0_lowered;
	s3 =	sadd.s32 s3, s5;
	[dreg:$0x0] =	wrdreg $0x0  }
0x20: {  	s5 =	sshll.u32 s28, $0x1;
	[dreg:$0x2] =	wrdreg s3  }
0x21: {  	[dreg:$0x3] =	wrdreg s5  }
0x22: {  	[dreg:$0x4] =	wrdreg $0xC0  }
0x23: {  	_ =	task [dreg:s7], $0x5FFFF  }
0x24: {  	[dreg:$0x1] =	wrdreg $0xFFFFFFFF  }
0x25: {  	[dreg:$0x0] =	wrdreg $0x60  }
0x26: {  	[dreg:$0x2] =	wrdreg s25  }
0x27: {  	[dreg:$0x3] =	wrdreg s2  }
0x28: {  	[dreg:$0x4] =	wrdreg $0x9  }
0x29: {  	_ =	task.clear_ibuf [dreg:s7], $0x5FFFF;
	_ =	strace $0x9000004C  }
0x2a: {  	s29 =	simm.s32 $0x9;
	_ =	strace $0x8000004E  }
0x2b: {  	_ =	swait.ge [sflag:s29], $0x1  }
0x2c: {  	[sflag:s29] =	ssyncadd.s32 $0xFFFFFFFF  }
0x2d: {  	_ =	strace $0x9000004E  }
0x2e: {  	_ =	sfence  }
0x2f: {  	s30 =	sld [smem:$0x0];
	_ =	sdelay $0x2  }
0x30: {  	s31 =	sshll.u32 s1, $0xD;
	s1 =	sshrl.u32 s1, $0x2  }
0x31: {  	s3 =	sand.u32 $0x4000, s31;
	s1 =	sadd.s32 s1, s30  }
0x32: {  	s0 =	sor.u32 s3, s0;
	s1 =	sshll.u32 s1, $0x11  }
0x33: {  	s0 =	sor.u32 s1, s0  }
0x34: {  	s0 =	sadd.s32 $0x8F2B, s0  }
0x35: {  	[sflag:s0] =	ssyncadd.remote.s32 $0x1  }
0x36: {  	_ =	sfence.sel $0xFFFF  }
0x37: {  	[dreg:$0x0] =	wrdreg $0xFFFFFFFF;
	(pc) =	sbr.abs _section_cstart, $3  }
0x38: {  	[dreg:$0x1] =	wrdreg $0xFFFFFFFF  }
0x39: {  	_ =	task.clear_ibuf [dreg:s7], $0x2FFFF;
	_ =	strace $0x9FFFFFFF  }
0x3a: {  	(tm) =	ssettm $0x7FFFFFFF  }
0x3b: {  	_ =	shalt  }
tec
execute0_lowered:
.L_overlay_start_1:
0x0: {  	(tag) =	ssettag $0x1  }
0x1: {  	s0 =	srdreg.scid  }
0x2: {  	s1 =	sshll.u32 s0, $0x4  }
0x3: {  	s4 =	rddreg [dreg:$0x0];
	s0 =	stileid.u32;
	s1 =	sand.u32 $0x10, s1  }
0x4: {  	s2 =	rddreg [dreg:$0x1];
	s7 =	simm.s32 $0x1;
	s1 =	sor.u32 s0, s1  }
0x5: {  	s8 =	simm.s32 $0x2;
	s11 =	simm.s32 $0x0;
	s3 =	sshll.u32 s1, $0x7  }
0x6: {  	s10 =	simm.s32 $0x0;
	s4 =	sadd.s32 $0xE00, s4;
	s6 =	ssub.s32 $0x68000, s3  }
.Ltmp0:
0x7: {  	s1 =	rddreg [dreg:$0x2];
	s5 =	sand.u32 $0xF80, s6;
	(pc) =	sbr.rel .LBB1_1-.Ltmp0, $4  }
0x8: {  	_ =	strace $0x8000004D;
	s9 =	smov.u32 s3;
	p0 =	sne.s32 s5, $0x0  }
0x9: {  	s6 =	sshrl.u32 s6, $0xC;
	s5 =	simm.s32 $0x1;
	s7 =	simm.s32 @!p0 $0x0  }
0xa: {  	[sflag:s5] =	ssyncpa.u1 $0x0;
	p0 =	por $0x0, $0x0;
	s6 =	sadd.s32 s7, s6  }
0xb: {  	[sflag:s8] =	ssyncpa.u1 $0x0;
	s8 =	simm.s32 $0x340000;
	s7 =	sadd.s32 $0x1, s6  }
.LBB1_4:
0xc: {  	s14 =	sshll.u32 s11, $0x3  }
0xd: {  	s30 =	sand.u32 $0x7F, s11;
	s15 =	sand.u32 $0xFFFFFC00, s14  }
0xe: {  	s11 =	sor.u32 s30, s15  }
0xf: {  	s15 =	smulhi.u32 $0x4EC4EC4F, s11  }
0x10: {  	s14 =	smulhi.u32 $0x4EC4EC4F, s14  }
0x11: {  	s15 =	sshrl.u32 s15, $0x11  }
0x12: {  	s14 =	sshrl.u32 s14, $0x11;
	s15 =	smul.u32 $0x68000, s15  }
0x13: {  	s14 =	sand.u32 $0x3F, s14  }
0x14: {  	s14 =	smul.u32 $0xD000, s14;
	s11 =	ssub.s32 s11, s15  }
0x15: {  	[tilespmem:s13+$0x810 ss:$0x81] =	vst.msk $0xffff, v2;
	s15 =	sand.u32 $0x7, s11  }
0x16: {  	[tilespmem:s13+$0x1020 ss:$0x81] =	vst.msk $0xffff, v0;
	s14 =	sadd.s32 s2, s14;
	s11 =	sshrl.u32 s11, $0x3;
	s15 =	sshll.u32 s15, $0x12  }
0x17: {  	[tilespmem:s13+$0x0 ss:$0x81] =	vst.msk $0xffff, v1;
	s11 =	sadd.s32 s11, s14;
	s31 =	sor.u32 $0x400, s15  }
0x18: {  	[hbm4b:s11+s31] =	stream.strided.scatter [tilespmem:s12], [sflag:$0x2], $0x2000, s8, s31, $0x20;
	[tilespmem:$0x8080] =	vst v63  }
.LBB1_5:
0x19: {  	s13 =	sadd.s32 $0x1000, s9  }
0x1a: {  	p2 =	sgt.s32 s13, $0x67FFF  }
0x1b: {  	s13 =	smov.u32 @p2 s3;
	p2 =	sne.s32 s10, s7  }
.Ltmp1:
0x1c: {  	p1 =	slt.u32 s10, $0x2;
	(pc) =	sbr.rel @!p2 .LBB1_6-.Ltmp1, $4  }
0x1d: {  	s12 =	simm.s32 @!p1 $0x2  }
0x1e: {  	s14 =	sadd.s32 $0x1, s10;
	_ =	swait.ge @!p1 [sflag:s12], $0x2000  }
0x1f: {  	s11 =	smov.u32 s9;
	p0 =	por !p0, !p0;
	[sflag:s12] =	ssyncset.done @!p1 $0x0  }
0x20: {  	s10 =	smov.u32 s14;
	s9 =	smov.u32 s13;
	[sflag:s12] =	ssyncadd.s32 @!p1 $0xFFFFE000  }
.LBB1_1:
0x21: {  	p1 =	sge.u32 s10, s6  }
0x22: {  	s12 =	sand.u32 @!p1 $0x1FFFFFF, s9  }
0x23: {  	s13 =	smulhi.u32 @!p1 $0x2762763, s12;
	_ =	sdelay $0x1  }
0x24: {  	s13 =	sshrl.u32 @!p1 s13, $0xC  }
0x25: {  	s13 =	smul.u32 @!p1 $0x68000, s13;
	_ =	sdelay $0x1  }
0x26: {  	s31 =	sadd.s32 $0xFFFFFFFF, s10;
	s14 =	sxor.u32 @!p1 $0xFFFFFFFF, s10;
	s12 =	ssub.s32 @!p1 s12, s13  }
0x27: {  	s15 =	simm.s32 @!p1 $0x80;
	s14 =	sshll.u32 @!p1 s14, $0xD;
	s12 =	sshll.u32 @!p1 s12, $0x4  }
0x28: {  	s13 =	sand.u32 @!p1 $0x2000, s14;
	s14 =	simm.s32 @!p1 $0x40;
	s12 =	sadd.s32 @!p1 s4, s12  }
0x29: {  	[tilespmem:s13], [sflag:$0x1] =	stream.strided.gather @!p1 [hbm4b:s12+s14], $0x2000, s15, s14, $0x38;
	[tilespmem:$0x8080] =	vst v63  }
0x2a: {  	p1 =	sge.u32 s31, s6  }
.Ltmp2:
0x2b: {  	_ = 	snop;
	(pc) =	sbr.rel @p1 .LBB1_5-.Ltmp2, $1  }
0x2c: {  	_ =	sdelay $0x3  }
0x2d: {  	s12 =	simm.s32 $0x1  }
0x2e: {  	_ =	swait.ge [sflag:s5], $0x2000;
	s12 =	simm.s32 @!p0 $0x0  }
0x2f: {  	[sflag:s5] =	ssyncset.done $0x0;
	s13 =	sshll.u32 s12, $0xD  }
0x30: {  	[sflag:s5] =	ssyncadd.s32 $0xFFFFE000;
	s16 =	sor.u32 $0x20, s13  }
0x31: {  	s12 =	smul.u32 $0x8100, s12;
	v3 =	vld [tilespmem:s16+$0x10]  }
0x32: {  	s30 =	sand.u32 $0x1, s10;
	v2 =	vld [tilespmem:s16+$0xFFFFFFF0]  }
0x33: {  	s13 =	smul.u32 $0x8100, s30;
	s12 =	sshrl.u32 s12, $0x2;
	v0 =	vld [tilespmem:s16+$0x0]  }
0x34: {  	v1 =	vld [tilespmem:s16+$0xFFFFFFE0];
	s14 =	sor.u32 $0x4000, s12  }
0x35: {  	s31 =	sshrl.u32 s13, $0x2;
	s13 =	sadd.s32 $0x0, s14  }
0x36: {  	s15 =	simm.s32 $0x4;
	s16 =	sadd.s32 $0x40, s16;
	s12 =	sor.u32 $0x4000, s31;
	[tilespmem:s13+$0x1830 ss:$0x81] =	vst.msk $0xffff, v3  }
.LBB1_3:
0x37: {  	v3 =	vld [tilespmem:s16+$0x10];
	p1 =	sne.s32 s15, $0x1FC;
	[tilespmem:s13+$0x810 ss:$0x81] =	vst.msk $0xffff, v2;
	s17 =	smov.u32 s15;
	s15 =	sadd.s32 $0x4, s15  }
.Ltmp3:
0x38: {  	v2 =	vld [tilespmem:s16+$0xFFFFFFF0];
	[tilespmem:s13+$0x1020 ss:$0x81] =	vst.msk $0xffff, v0;
	(pc) =	sbr.rel @p1 .LBB1_3-.Ltmp3, $4  }
0x39: {  	v0 =	vld [tilespmem:s16+$0x0];
	[tilespmem:s13+$0x0 ss:$0x81] =	vst.msk $0xffff, v1  }
0x3a: {  	s13 =	sshra.s32 s17, $0x2;
	v1 =	vld [tilespmem:s16+$0xFFFFFFE0]  }
0x3b: {  	s13 =	sadd.s32 s13, s14  }
0x3c: {  	s16 =	sadd.s32 $0x40, s16;
	[tilespmem:s13+$0x1830 ss:$0x81] =	vst.msk $0xffff, v3  }
.Ltmp4:
0x3d: {  	_ = 	snop;
	(pc) =	sbr.rel .LBB1_4-.Ltmp4, $1  }
0x3e: {  	_ =	sdelay $0x3  }
.LBB1_6:
0x3f: {  	_ =	sfence.sel $0x180000  }
0x40: {  	s2 =	simm.s32 $0x1;
	[bflag:$0x0] =	sbarrier.arrive $0xFFFF  }
0x41: {  	s31 =	simm.s32 $0x2;
	[sflag:s2] =	ssyncpa.u1 $0x1  }
0x42: {  	[sflag:s31] =	ssyncpa.u1 $0x1  }
0x43: {  	p0 =	sne.s32 s0, $0x0;
	_ =	strace $0x9000004D  }
0x44: {  	s0 =	sadd.s32 @!p0 $0x100000, s1;
	[bflag:$0x2] =	sbarrier.arrive $0xFFFF  }
0x45: {  	[sflag:s0] =	ssyncadd.tile.s32 @!p0 $0x1;
	_ =	shalt  }
.Lfunc_end1:
_tile_overlayer_lowered:
.L_overlay_start_2:
0x46: {  	(tag) =	ssettag $0x2  }
0x47: {  	s0 =	rddreg [dreg:$0x0];
	s2 =	stileid.u32  }
0x48: {  	s1 =	rddreg [dreg:$0x1];
	p0 =	sne.s32 s2, $0x0  }
0x49: {  	s3 =	rddreg [dreg:$0x2];
	[bflag:$0x3] =	sbarrier.arrive $0xFFFF;
	s2 =	simm.s32 @!p0 $0x1C01  }
0x4a: {  	[timem:s3], [sflag:s2] =	dma.local @!p0 [hbm:s0], s1  }
0x4b: {  	s0 =	simm.s32 @!p0 $0x1  }
0x4c: {  	_ =	swait.ge @!p0 [sflag:s0], s1  }
0x4d: {  	s1 =	ssub.s32 @!p0 $0x0, s1;
	[sflag:s0] =	ssyncset.done @!p0 $0x0  }
0x4e: {  	[sflag:s0] =	ssyncadd.s32 @!p0 s1  }
0x4f: {  	[bflag:$0x3] =	sbarrier.arrive $0xFFFF  }
0x50: {  	_ =	shalt  }

</sc_bundles>
